<compile_context>
chip_gen: v7x
topology: tpu7x:2x2x1
jax: 0.10.2.dev20260603
libtpu: 0.0.44.dev20260713+nightly
codegen_flags: <defaults>
</compile_context>

<pallas_src>
import functools

import jax
import jax.numpy as jnp
from jax import lax
from jax.experimental import pallas as pl
from jax.experimental.pallas import tpu as pltpu
from jax.experimental.pallas import tpu_sc as plsc

B = 4096
N = 200
K = 50
D = 64

NC = 2
NS = 16
NW = NC * NS
L = 16

BB = B // NW
DP = 2
NDB = D // DP
XB = N * DP * BB


def _sc_gather_t(xt, it):
    mesh = plsc.VectorSubcoreMesh(core_axis_name="c", subcore_axis_name="s")

    @functools.partial(
        pl.kernel,
        mesh=mesh,
        out_type=jax.ShapeDtypeStruct((K, D, B), jnp.float32),
        scratch_types=[
            pltpu.VMEM((K, BB), jnp.int32),
            [pltpu.VMEM((N, DP, BB), jnp.float32)] * 2,
            pltpu.VMEM((K, DP, BB), jnp.float32),
            [pltpu.SemaphoreType.DMA] * 2,
            pltpu.SemaphoreType.DMA,
            pltpu.SemaphoreType.DMA,
        ],
        compiler_params=pltpu.CompilerParams(needs_layout_passes=False),
    )
    def k(xt_hbm, it_hbm, yt_hbm, idx_v, xbufs, ybuf, xsems, isem, ysem):
        wid = lax.axis_index("s") * NC + lax.axis_index("c")
        b0 = wid * BB

        idx_copy = pltpu.async_copy(it_hbm.at[:, pl.ds(b0, BB)], idx_v, isem)

        def fire_x(dblk, buf):
            h = N // 2
            for nh in range(2):
                pltpu.async_copy(
                    xt_hbm.at[
                        pl.ds(nh * h, h), pl.ds(dblk * DP, DP), pl.ds(b0, BB)
                    ],
                    xbufs[buf].at[pl.ds(nh * h, h)],
                    xsems[buf],
                )

        def compute(buf, dblk):
            del dblk
            iota = lax.iota(jnp.int32, L)
            bvecs = [iota + jnp.int32(bg * L) for bg in range(BB // L)]
            dvecs = [jnp.full((L,), dd, jnp.int32) for dd in range(DP)]

            @plsc.parallel_loop(0, K, unroll=2)
            def k_body(ki):
                for bg in range(BB // L):
                    nvec = idx_v[ki, pl.ds(bg * L, L)]
                    for dd in range(DP):
                        v = plsc.load_gather(
                            xbufs[buf], [nvec, dvecs[dd], bvecs[bg]]
                        )
                        ybuf[ki, dd, pl.ds(bg * L, L)] = v

        def fire_y(dblk):
            return pltpu.async_copy(
                ybuf,
                yt_hbm.at[:, pl.ds(dblk * DP, DP), pl.ds(b0, BB)],
                ysem,
            )

        def wait_x(buf):
            pltpu.make_async_copy(
                xt_hbm.at[:, pl.ds(0, DP), pl.ds(b0, BB)], xbufs[buf],
                xsems[buf],
            ).wait()

        def wait_y():
            pltpu.make_async_copy(
                ybuf, yt_hbm.at[:, pl.ds(0, DP), pl.ds(b0, BB)], ysem
            ).wait()

        fire_x(0, 0)
        fire_x(1, 1)
        idx_copy.wait()

        def group_body(g, carry):
            for buf in range(2):
                dblk = g * 2 + buf
                wait_x(buf)

                @pl.when(dblk >= 1)
                def _():
                    wait_y()

                compute(buf, dblk)
                fire_y(dblk)

                @pl.when(dblk + 2 < NDB)
                def _():
                    fire_x(dblk + 2, buf)

            return carry

        lax.fori_loop(0, NDB // 2, group_body, 0)
        wait_y()

    return k(xt, it)


def kernel(reference, indices):
    xt = jnp.transpose(reference, (1, 2, 0))
    it = jnp.transpose(indices.astype(jnp.int32), (1, 0))
    yt = _sc_gather_t(xt, it)
    return jnp.transpose(yt, (2, 0, 1))

# --- scband reference (transcript-rebuilt; emitter-appended) ---
"""Pipeline reference for scband-gather-65601330479618 (READ-ONLY COPY).

The authoritative reference and input builder live on the scoring server;
editing this copy changes nothing except your own understanding.
"""

import jax, jax.numpy as jnp
import numpy as np

def setup_inputs(seed: int = 0) -> dict:
    key = jax.random.key(seed)
    k1, k2 = jax.random.split(key)
    reference = jax.random.normal(k1, (4096, 200, 64), dtype=jnp.float32)
    indices = jax.random.randint(k2, (4096, 50), 0, 200, dtype=jnp.int64)
    return {"reference": reference, "indices": indices}

def reference(reference, indices):
    # tf.gather(reference, indices, batch_dims=1):
    # per-batch gather along axis 1
    return jax.vmap(lambda r, i: jnp.take(r, i, axis=0))(reference, indices)

if __name__ == "__main__":
    import jax
    _d = setup_inputs()
    print(jax.jit(kernel)(*tuple(_d.values())))

</pallas_src>

<mosaic_0001>
#map = affine_map<(d0, d1) -> (0, 0, 0)>
#map1 = affine_map<(d0, d1) -> (0, 0)>
module attributes {stable_mosaic.version = 14 : i64} {
  func.func @k(%arg0: i32, %arg1: i32, %arg2: memref<200x64x4096xf32, #tpu.memory_space<hbm>>, %arg3: memref<50x4096xi32, #tpu.memory_space<hbm>>, %arg4: memref<50x64x4096xf32, #tpu.memory_space<hbm>>, %arg5: memref<50x128xi32, #tpu.memory_space<vmem>>, %arg6: memref<200x2x128xf32, #tpu.memory_space<vmem>>, %arg7: memref<200x2x128xf32, #tpu.memory_space<vmem>>, %arg8: memref<50x2x128xf32, #tpu.memory_space<vmem>>, %arg9: memref<!tpu.dma_semaphore, #tpu.memory_space<semaphore_mem>>, %arg10: memref<!tpu.dma_semaphore, #tpu.memory_space<semaphore_mem>>, %arg11: memref<!tpu.dma_semaphore, #tpu.memory_space<semaphore_mem>>, %arg12: memref<!tpu.dma_semaphore, #tpu.memory_space<semaphore_mem>>) attributes {dimension_semantics = [#tpu.dimension_semantics<core_parallel>, #tpu.dimension_semantics<subcore_parallel>], iteration_bounds = array<i64: 2, 16>, scalar_prefetch = 0 : i64, scratch_operands = 8 : i64, tpu.core_type = #tpu.core_type<sc_vector_subcore>, window_params = [{transform_indices = #map}, {transform_indices = #map1}, {transform_indices = #map}]} {
    %mul3A = arith.constant 2 : i32
    %mul3A_0 = arith.muli %arg1, %mul3A : i32
    %add3A = arith.addi %mul3A_0, %arg0 : i32
    %mul3A_1 = arith.constant 128 : i32
    %mul3A_2 = arith.muli %add3A, %mul3A_1 : i32
    %dma_start3A = arith.constant 0 : i32
    %dma_start3A_3 = tpu.memref_slice %arg3[%dma_start3A, %mul3A_2] : memref<50x4096xi32, #tpu.memory_space<hbm>> -> memref<50x128xi32, #tpu.memory_space<hbm>>
    %dma_start3A_4 = arith.constant 0 : i32
    %dma_start3A_5 = tpu.memref_slice %arg3[%dma_start3A_4, %mul3A_2] : memref<50x4096xi32, #tpu.memory_space<hbm>> -> memref<50x128xi32, #tpu.memory_space<hbm>>
    tpu.enqueue_dma source(%dma_start3A_5 : memref<50x128xi32, #tpu.memory_space<hbm>>) target(%arg5 : memref<50x128xi32, #tpu.memory_space<vmem>>) target_semaphore(%arg11 : memref<!tpu.dma_semaphore, #tpu.memory_space<semaphore_mem>>)
    %dma_start3A_6 = arith.constant 0 : i32
    %dma_start3A_7 = arith.constant 0 : i32
    %dma_start3A_8 = arith.constant 0 : i32
    %dma_start3A_9 = tpu.memref_slice %arg6[%dma_start3A_6, %dma_start3A_7, %dma_start3A_8] : memref<200x2x128xf32, #tpu.memory_space<vmem>> -> memref<100x2x128xf32, #tpu.memory_space<vmem>>
    %dma_start3A_10 = arith.constant 0 : i32
    %dma_start3A_11 = arith.constant 0 : i32
    %dma_start3A_12 = tpu.memref_slice %arg2[%dma_start3A_10, %dma_start3A_11, %mul3A_2] : memref<200x64x4096xf32, #tpu.memory_space<hbm>> -> memref<100x2x128xf32, #tpu.memory_space<hbm>>
    %dma_start3A_13 = arith.constant 0 : i32
    %dma_start3A_14 = arith.constant 0 : i32
    %dma_start3A_15 = arith.constant 0 : i32
    %dma_start3A_16 = tpu.memref_slice %arg6[%dma_start3A_13, %dma_start3A_14, %dma_start3A_15] : memref<200x2x128xf32, #tpu.memory_space<vmem>> -> memref<100x2x128xf32, #tpu.memory_space<vmem>>
    %dma_start3A_17 = arith.constant 0 : i32
    %dma_start3A_18 = arith.constant 0 : i32
    %dma_start3A_19 = tpu.memref_slice %arg2[%dma_start3A_17, %dma_start3A_18, %mul3A_2] : memref<200x64x4096xf32, #tpu.memory_space<hbm>> -> memref<100x2x128xf32, #tpu.memory_space<hbm>>
    tpu.enqueue_dma source(%dma_start3A_19 : memref<100x2x128xf32, #tpu.memory_space<hbm>>) target(%dma_start3A_16 : memref<100x2x128xf32, #tpu.memory_space<vmem>>) target_semaphore(%arg9 : memref<!tpu.dma_semaphore, #tpu.memory_space<semaphore_mem>>)
    %dma_start3A_20 = arith.constant 100 : i32
    %dma_start3A_21 = arith.constant 0 : i32
    %dma_start3A_22 = arith.constant 0 : i32
    %dma_start3A_23 = tpu.memref_slice %arg6[%dma_start3A_20, %dma_start3A_21, %dma_start3A_22] : memref<200x2x128xf32, #tpu.memory_space<vmem>> -> memref<100x2x128xf32, #tpu.memory_space<vmem>>
    %dma_start3A_24 = arith.constant 100 : i32
    %dma_start3A_25 = arith.constant 0 : i32
    %dma_start3A_26 = tpu.memref_slice %arg2[%dma_start3A_24, %dma_start3A_25, %mul3A_2] : memref<200x64x4096xf32, #tpu.memory_space<hbm>> -> memref<100x2x128xf32, #tpu.memory_space<hbm>>
    %dma_start3A_27 = arith.constant 100 : i32
    %dma_start3A_28 = arith.constant 0 : i32
    %dma_start3A_29 = arith.constant 0 : i32
    %dma_start3A_30 = tpu.memref_slice %arg6[%dma_start3A_27, %dma_start3A_28, %dma_start3A_29] : memref<200x2x128xf32, #tpu.memory_space<vmem>> -> memref<100x2x128xf32, #tpu.memory_space<vmem>>
    %dma_start3A_31 = arith.constant 100 : i32
    %dma_start3A_32 = arith.constant 0 : i32
    %dma_start3A_33 = tpu.memref_slice %arg2[%dma_start3A_31, %dma_start3A_32, %mul3A_2] : memref<200x64x4096xf32, #tpu.memory_space<hbm>> -> memref<100x2x128xf32, #tpu.memory_space<hbm>>
    tpu.enqueue_dma source(%dma_start3A_33 : memref<100x2x128xf32, #tpu.memory_space<hbm>>) target(%dma_start3A_30 : memref<100x2x128xf32, #tpu.memory_space<vmem>>) target_semaphore(%arg9 : memref<!tpu.dma_semaphore, #tpu.memory_space<semaphore_mem>>)
    %dma_start3A_34 = arith.constant 0 : i32
    %dma_start3A_35 = arith.constant 0 : i32
    %dma_start3A_36 = arith.constant 0 : i32
    %dma_start3A_37 = tpu.memref_slice %arg7[%dma_start3A_34, %dma_start3A_35, %dma_start3A_36] : memref<200x2x128xf32, #tpu.memory_space<vmem>> -> memref<100x2x128xf32, #tpu.memory_space<vmem>>
    %dma_start3A_38 = arith.constant 0 : i32
    %dma_start3A_39 = arith.constant 2 : i32
    %dma_start3A_40 = tpu.memref_slice %arg2[%dma_start3A_38, %dma_start3A_39, %mul3A_2] : memref<200x64x4096xf32, #tpu.memory_space<hbm>> -> memref<100x2x128xf32, #tpu.memory_space<hbm>>
    %dma_start3A_41 = arith.constant 0 : i32
    %dma_start3A_42 = arith.constant 0 : i32
    %dma_start3A_43 = arith.constant 0 : i32
    %dma_start3A_44 = tpu.memref_slice %arg7[%dma_start3A_41, %dma_start3A_42, %dma_start3A_43] : memref<200x2x128xf32, #tpu.memory_space<vmem>> -> memref<100x2x128xf32, #tpu.memory_space<vmem>>
    %dma_start3A_45 = arith.constant 0 : i32
    %dma_start3A_46 = arith.constant 2 : i32
    %dma_start3A_47 = tpu.memref_slice %arg2[%dma_start3A_45, %dma_start3A_46, %mul3A_2] : memref<200x64x4096xf32, #tpu.memory_space<hbm>> -> memref<100x2x128xf32, #tpu.memory_space<hbm>>
    tpu.enqueue_dma source(%dma_start3A_47 : memref<100x2x128xf32, #tpu.memory_space<hbm>>) target(%dma_start3A_44 : memref<100x2x128xf32, #tpu.memory_space<vmem>>) target_semaphore(%arg10 : memref<!tpu.dma_semaphore, #tpu.memory_space<semaphore_mem>>)
    %dma_start3A_48 = arith.constant 100 : i32
    %dma_start3A_49 = arith.constant 0 : i32
    %dma_start3A_50 = arith.constant 0 : i32
    %dma_start3A_51 = tpu.memref_slice %arg7[%dma_start3A_48, %dma_start3A_49, %dma_start3A_50] : memref<200x2x128xf32, #tpu.memory_space<vmem>> -> memref<100x2x128xf32, #tpu.memory_space<vmem>>
    %dma_start3A_52 = arith.constant 100 : i32
    %dma_start3A_53 = arith.constant 2 : i32
    %dma_start3A_54 = tpu.memref_slice %arg2[%dma_start3A_52, %dma_start3A_53, %mul3A_2] : memref<200x64x4096xf32, #tpu.memory_space<hbm>> -> memref<100x2x128xf32, #tpu.memory_space<hbm>>
    %dma_start3A_55 = arith.constant 100 : i32
    %dma_start3A_56 = arith.constant 0 : i32
    %dma_start3A_57 = arith.constant 0 : i32
    %dma_start3A_58 = tpu.memref_slice %arg7[%dma_start3A_55, %dma_start3A_56, %dma_start3A_57] : memref<200x2x128xf32, #tpu.memory_space<vmem>> -> memref<100x2x128xf32, #tpu.memory_space<vmem>>
    %dma_start3A_59 = arith.constant 100 : i32
    %dma_start3A_60 = arith.constant 2 : i32
    %dma_start3A_61 = tpu.memref_slice %arg2[%dma_start3A_59, %dma_start3A_60, %mul3A_2] : memref<200x64x4096xf32, #tpu.memory_space<hbm>> -> memref<100x2x128xf32, #tpu.memory_space<hbm>>
    tpu.enqueue_dma source(%dma_start3A_61 : memref<100x2x128xf32, #tpu.memory_space<hbm>>) target(%dma_start3A_58 : memref<100x2x128xf32, #tpu.memory_space<vmem>>) target_semaphore(%arg10 : memref<!tpu.dma_semaphore, #tpu.memory_space<semaphore_mem>>)
    %dma_wait3A = arith.constant 0 : i32
    %dma_wait3A_62 = tpu.memref_slice %arg3[%dma_wait3A, %mul3A_2] : memref<50x4096xi32, #tpu.memory_space<hbm>> -> memref<50x128xi32, #tpu.memory_space<hbm>>
    %dma_wait3A_63 = arith.constant 0 : i32
    %dma_wait3A_64 = tpu.memref_slice %arg3[%dma_wait3A_63, %mul3A_2] : memref<50x4096xi32, #tpu.memory_space<hbm>> -> memref<50x128xi32, #tpu.memory_space<hbm>>
    tpu.wait_dma2 semaphore(%arg11 : memref<!tpu.dma_semaphore, #tpu.memory_space<semaphore_mem>>) src(%dma_wait3A_64 : memref<50x128xi32, #tpu.memory_space<hbm>>) dst(%arg5 : memref<50x128xi32, #tpu.memory_space<vmem>>)
    %scan3A = arith.constant 0 : i32
    %scan3A_65 = arith.constant 0 : i32
    %scan3A_66 = arith.constant 16 : i32
    %scan3A_67 = arith.addi %scan3A_65, %scan3A_66 : i32
    %scan3A_68 = arith.constant 1 : i32
    scf.for %scan3A_76 = %scan3A_65 to %scan3A_67 step %scan3A_68  : i32 {
      %mul3A_77 = arith.constant 2 : i32
      %mul3A_78 = arith.muli %scan3A_76, %mul3A_77 : i32
      %add3A_79 = arith.constant 0 : i32
      %add3A_80 = arith.addi %mul3A_78, %add3A_79 : i32
      %dma_wait3A_81 = arith.constant 0 : i32
      %dma_wait3A_82 = arith.constant 0 : i32
      %dma_wait3A_83 = tpu.memref_slice %arg2[%dma_wait3A_81, %dma_wait3A_82, %mul3A_2] : memref<200x64x4096xf32, #tpu.memory_space<hbm>> -> memref<200x2x128xf32, #tpu.memory_space<hbm>>
      %dma_wait3A_84 = arith.constant 0 : i32
      %dma_wait3A_85 = arith.constant 0 : i32
      %dma_wait3A_86 = tpu.memref_slice %arg2[%dma_wait3A_84, %dma_wait3A_85, %mul3A_2] : memref<200x64x4096xf32, #tpu.memory_space<hbm>> -> memref<200x2x128xf32, #tpu.memory_space<hbm>>
      tpu.wait_dma2 semaphore(%arg9 : memref<!tpu.dma_semaphore, #tpu.memory_space<semaphore_mem>>) src(%dma_wait3A_86 : memref<200x2x128xf32, #tpu.memory_space<hbm>>) dst(%arg6 : memref<200x2x128xf32, #tpu.memory_space<vmem>>)
      %ge3A = arith.constant 1 : i32
      %ge3A_87 = arith.cmpi sge, %add3A_80, %ge3A : i32
      %convert_element_type3A = arith.extui %ge3A_87 : i1 to i32
      %cond3A = arith.constant 0 : i32
      %cond3A_88 = arith.cmpi ne, %convert_element_type3A, %cond3A : i32
      scf.if %cond3A_88 {
        %dma_wait3A_190 = arith.constant 0 : i32
        %dma_wait3A_191 = arith.constant 0 : i32
        %dma_wait3A_192 = tpu.memref_slice %arg4[%dma_wait3A_190, %dma_wait3A_191, %mul3A_2] : memref<50x64x4096xf32, #tpu.memory_space<hbm>> -> memref<50x2x128xf32, #tpu.memory_space<hbm>>
        %dma_wait3A_193 = arith.constant 0 : i32
        %dma_wait3A_194 = arith.constant 0 : i32
        %dma_wait3A_195 = tpu.memref_slice %arg4[%dma_wait3A_193, %dma_wait3A_194, %mul3A_2] : memref<50x64x4096xf32, #tpu.memory_space<hbm>> -> memref<50x2x128xf32, #tpu.memory_space<hbm>>
        tpu.wait_dma2 semaphore(%arg12 : memref<!tpu.dma_semaphore, #tpu.memory_space<semaphore_mem>>) src(%arg8 : memref<50x2x128xf32, #tpu.memory_space<vmem>>) dst(%dma_wait3A_195 : memref<50x2x128xf32, #tpu.memory_space<hbm>>)
      } else {
      }
      %iota3A = tpu.iota {dimensions = array<i32: 0>} : vector<16xi32>
      %add3A_89 = arith.constant 0 : i32
      %add3A_90 = vector.broadcast %add3A_89 : i32 to vector<16xi32>
      %add3A_91 = arith.addi %iota3A, %add3A_90 : vector<16xi32>
      %add3A_92 = arith.constant 16 : i32
      %add3A_93 = vector.broadcast %add3A_92 : i32 to vector<16xi32>
      %add3A_94 = arith.addi %iota3A, %add3A_93 : vector<16xi32>
      %add3A_95 = arith.constant 32 : i32
      %add3A_96 = vector.broadcast %add3A_95 : i32 to vector<16xi32>
      %add3A_97 = arith.addi %iota3A, %add3A_96 : vector<16xi32>
      %add3A_98 = arith.constant 48 : i32
      %add3A_99 = vector.broadcast %add3A_98 : i32 to vector<16xi32>
      %add3A_100 = arith.addi %iota3A, %add3A_99 : vector<16xi32>
      %add3A_101 = arith.constant 64 : i32
      %add3A_102 = vector.broadcast %add3A_101 : i32 to vector<16xi32>
      %add3A_103 = arith.addi %iota3A, %add3A_102 : vector<16xi32>
      %add3A_104 = arith.constant 80 : i32
      %add3A_105 = vector.broadcast %add3A_104 : i32 to vector<16xi32>
      %add3A_106 = arith.addi %iota3A, %add3A_105 : vector<16xi32>
      %add3A_107 = arith.constant 96 : i32
      %add3A_108 = vector.broadcast %add3A_107 : i32 to vector<16xi32>
      %add3A_109 = arith.addi %iota3A, %add3A_108 : vector<16xi32>
      %add3A_110 = arith.constant 112 : i32
      %add3A_111 = vector.broadcast %add3A_110 : i32 to vector<16xi32>
      %add3A_112 = arith.addi %iota3A, %add3A_111 : vector<16xi32>
      %broadcast_in_dim3A = arith.constant 0 : i32
      %broadcast_in_dim3A_113 = vector.broadcast %broadcast_in_dim3A : i32 to vector<16xi32>
      %broadcast_in_dim3A_114 = arith.constant 1 : i32
      %broadcast_in_dim3A_115 = vector.broadcast %broadcast_in_dim3A_114 : i32 to vector<16xi32>
      %parallel_loop3A = arith.constant 0 : i32
      %parallel_loop3A_116 = arith.constant 50 : i32
      %parallel_loop3A_117 = arith.constant 1 : i32
      scf.for %parallel_loop3A_190 = %parallel_loop3A to %parallel_loop3A_116 step %parallel_loop3A_117  : i32 {
        %parallel_loop3A_191 = arith.index_cast %parallel_loop3A_190 : i32 to index
        %parallel_loop3A_192 = arith.constant 0 : index
        %parallel_loop3A_193 = tpu.vector_load %arg5[%parallel_loop3A_191, %parallel_loop3A_192] {strides = array<i32>} : memref<50x128xi32, #tpu.memory_space<vmem>>, vector<16xi32>,
        %parallel_loop3A_194 = tpu.vector_load_idx %arg6[%parallel_loop3A_193, %broadcast_in_dim3A_113, %add3A_91] : memref<200x2x128xf32, #tpu.memory_space<vmem>>[vector<16xi32>, vector<16xi32>, vector<16xi32>], vector<16xf32>,
        %parallel_loop3A_195 = arith.constant 0 : i32
        %parallel_loop3A_196 = arith.index_cast %parallel_loop3A_190 : i32 to index
        %parallel_loop3A_197 = arith.index_cast %parallel_loop3A_195 : i32 to index
        %parallel_loop3A_198 = arith.constant 0 : index
        %parallel_loop3A_199 = tpu.vector_load %arg8[%parallel_loop3A_196, %parallel_loop3A_197, %parallel_loop3A_198] {strides = array<i32>} : memref<50x2x128xf32, #tpu.memory_space<vmem>>, vector<16xf32>,
        tpu.vector_store %arg8[%parallel_loop3A_196, %parallel_loop3A_197, %parallel_loop3A_198], %parallel_loop3A_194 {strides = array<i32>} : memref<50x2x128xf32, #tpu.memory_space<vmem>>, vector<16xf32>,
        %parallel_loop3A_200 = tpu.vector_load_idx %arg6[%parallel_loop3A_193, %broadcast_in_dim3A_115, %add3A_91] : memref<200x2x128xf32, #tpu.memory_space<vmem>>[vector<16xi32>, vector<16xi32>, vector<16xi32>], vector<16xf32>,
        %parallel_loop3A_201 = arith.constant 1 : i32
        %parallel_loop3A_202 = arith.index_cast %parallel_loop3A_190 : i32 to index
        %parallel_loop3A_203 = arith.index_cast %parallel_loop3A_201 : i32 to index
        %parallel_loop3A_204 = arith.constant 0 : index
        %parallel_loop3A_205 = tpu.vector_load %arg8[%parallel_loop3A_202, %parallel_loop3A_203, %parallel_loop3A_204] {strides = array<i32>} : memref<50x2x128xf32, #tpu.memory_space<vmem>>, vector<16xf32>,
        tpu.vector_store %arg8[%parallel_loop3A_202, %parallel_loop3A_203, %parallel_loop3A_204], %parallel_loop3A_200 {strides = array<i32>} : memref<50x2x128xf32, #tpu.memory_space<vmem>>, vector<16xf32>,
        %parallel_loop3A_206 = arith.index_cast %parallel_loop3A_190 : i32 to index
        %parallel_loop3A_207 = arith.constant 16 : index
        %parallel_loop3A_208 = tpu.vector_load %arg5[%parallel_loop3A_206, %parallel_loop3A_207] {strides = array<i32>} : memref<50x128xi32, #tpu.memory_space<vmem>>, vector<16xi32>,
        %parallel_loop3A_209 = tpu.vector_load_idx %arg6[%parallel_loop3A_208, %broadcast_in_dim3A_113, %add3A_94] : memref<200x2x128xf32, #tpu.memory_space<vmem>>[vector<16xi32>, vector<16xi32>, vector<16xi32>], vector<16xf32>,
        %parallel_loop3A_210 = arith.constant 0 : i32
        %parallel_loop3A_211 = arith.index_cast %parallel_loop3A_190 : i32 to index
        %parallel_loop3A_212 = arith.index_cast %parallel_loop3A_210 : i32 to index
        %parallel_loop3A_213 = arith.constant 16 : index
        %parallel_loop3A_214 = tpu.vector_load %arg8[%parallel_loop3A_211, %parallel_loop3A_212, %parallel_loop3A_213] {strides = array<i32>} : memref<50x2x128xf32, #tpu.memory_space<vmem>>, vector<16xf32>,
        tpu.vector_store %arg8[%parallel_loop3A_211, %parallel_loop3A_212, %parallel_loop3A_213], %parallel_loop3A_209 {strides = array<i32>} : memref<50x2x128xf32, #tpu.memory_space<vmem>>, vector<16xf32>,
        %parallel_loop3A_215 = tpu.vector_load_idx %arg6[%parallel_loop3A_208, %broadcast_in_dim3A_115, %add3A_94] : memref<200x2x128xf32, #tpu.memory_space<vmem>>[vector<16xi32>, vector<16xi32>, vector<16xi32>], vector<16xf32>,
        %parallel_loop3A_216 = arith.constant 1 : i32
        %parallel_loop3A_217 = arith.index_cast %parallel_loop3A_190 : i32 to index
        %parallel_loop3A_218 = arith.index_cast %parallel_loop3A_216 : i32 to index
        %parallel_loop3A_219 = arith.constant 16 : index
        %parallel_loop3A_220 = tpu.vector_load %arg8[%parallel_loop3A_217, %parallel_loop3A_218, %parallel_loop3A_219] {strides = array<i32>} : memref<50x2x128xf32, #tpu.memory_space<vmem>>, vector<16xf32>,
        tpu.vector_store %arg8[%parallel_loop3A_217, %parallel_loop3A_218, %parallel_loop3A_219], %parallel_loop3A_215 {strides = array<i32>} : memref<50x2x128xf32, #tpu.memory_space<vmem>>, vector<16xf32>,
        %parallel_loop3A_221 = arith.index_cast %parallel_loop3A_190 : i32 to index
        %parallel_loop3A_222 = arith.constant 32 : index
        %parallel_loop3A_223 = tpu.vector_load %arg5[%parallel_loop3A_221, %parallel_loop3A_222] {strides = array<i32>} : memref<50x128xi32, #tpu.memory_space<vmem>>, vector<16xi32>,
        %parallel_loop3A_224 = tpu.vector_load_idx %arg6[%parallel_loop3A_223, %broadcast_in_dim3A_113, %add3A_97] : memref<200x2x128xf32, #tpu.memory_space<vmem>>[vector<16xi32>, vector<16xi32>, vector<16xi32>], vector<16xf32>,
        %parallel_loop3A_225 = arith.constant 0 : i32
        %parallel_loop3A_226 = arith.index_cast %parallel_loop3A_190 : i32 to index
        %parallel_loop3A_227 = arith.index_cast %parallel_loop3A_225 : i32 to index
        %parallel_loop3A_228 = arith.constant 32 : index
        %parallel_loop3A_229 = tpu.vector_load %arg8[%parallel_loop3A_226, %parallel_loop3A_227, %parallel_loop3A_228] {strides = array<i32>} : memref<50x2x128xf32, #tpu.memory_space<vmem>>, vector<16xf32>,
        tpu.vector_store %arg8[%parallel_loop3A_226, %parallel_loop3A_227, %parallel_loop3A_228], %parallel_loop3A_224 {strides = array<i32>} : memref<50x2x128xf32, #tpu.memory_space<vmem>>, vector<16xf32>,
        %parallel_loop3A_230 = tpu.vector_load_idx %arg6[%parallel_loop3A_223, %broadcast_in_dim3A_115, %add3A_97] : memref<200x2x128xf32, #tpu.memory_space<vmem>>[vector<16xi32>, vector<16xi32>, vector<16xi32>], vector<16xf32>,
        %parallel_loop3A_231 = arith.constant 1 : i32
        %parallel_loop3A_232 = arith.index_cast %parallel_loop3A_190 : i32 to index
        %parallel_loop3A_233 = arith.index_cast %parallel_loop3A_231 : i32 to index
        %parallel_loop3A_234 = arith.constant 32 : index
        %parallel_loop3A_235 = tpu.vector_load %arg8[%parallel_loop3A_232, %parallel_loop3A_233, %parallel_loop3A_234] {strides = array<i32>} : memref<50x2x128xf32, #tpu.memory_space<vmem>>, vector<16xf32>,
        tpu.vector_store %arg8[%parallel_loop3A_232, %parallel_loop3A_233, %parallel_loop3A_234], %parallel_loop3A_230 {strides = array<i32>} : memref<50x2x128xf32, #tpu.memory_space<vmem>>, vector<16xf32>,
        %parallel_loop3A_236 = arith.index_cast %parallel_loop3A_190 : i32 to index
        %parallel_loop3A_237 = arith.constant 48 : index
        %parallel_loop3A_238 = tpu.vector_load %arg5[%parallel_loop3A_236, %parallel_loop3A_237] {strides = array<i32>} : memref<50x128xi32, #tpu.memory_space<vmem>>, vector<16xi32>,
        %parallel_loop3A_239 = tpu.vector_load_idx %arg6[%parallel_loop3A_238, %broadcast_in_dim3A_113, %add3A_100] : memref<200x2x128xf32, #tpu.memory_space<vmem>>[vector<16xi32>, vector<16xi32>, vector<16xi32>], vector<16xf32>,
        %parallel_loop3A_240 = arith.constant 0 : i32
        %parallel_loop3A_241 = arith.index_cast %parallel_loop3A_190 : i32 to index
        %parallel_loop3A_242 = arith.index_cast %parallel_loop3A_240 : i32 to index
        %parallel_loop3A_243 = arith.constant 48 : index
        %parallel_loop3A_244 = tpu.vector_load %arg8[%parallel_loop3A_241, %parallel_loop3A_242, %parallel_loop3A_243] {strides = array<i32>} : memref<50x2x128xf32, #tpu.memory_space<vmem>>, vector<16xf32>,
        tpu.vector_store %arg8[%parallel_loop3A_241, %parallel_loop3A_242, %parallel_loop3A_243], %parallel_loop3A_239 {strides = array<i32>} : memref<50x2x128xf32, #tpu.memory_space<vmem>>, vector<16xf32>,
        %parallel_loop3A_245 = tpu.vector_load_idx %arg6[%parallel_loop3A_238, %broadcast_in_dim3A_115, %add3A_100] : memref<200x2x128xf32, #tpu.memory_space<vmem>>[vector<16xi32>, vector<16xi32>, vector<16xi32>], vector<16xf32>,
        %parallel_loop3A_246 = arith.constant 1 : i32
        %parallel_loop3A_247 = arith.index_cast %parallel_loop3A_190 : i32 to index
        %parallel_loop3A_248 = arith.index_cast %parallel_loop3A_246 : i32 to index
        %parallel_loop3A_249 = arith.constant 48 : index
        %parallel_loop3A_250 = tpu.vector_load %arg8[%parallel_loop3A_247, %parallel_loop3A_248, %parallel_loop3A_249] {strides = array<i32>} : memref<50x2x128xf32, #tpu.memory_space<vmem>>, vector<16xf32>,
        tpu.vector_store %arg8[%parallel_loop3A_247, %parallel_loop3A_248, %parallel_loop3A_249], %parallel_loop3A_245 {strides = array<i32>} : memref<50x2x128xf32, #tpu.memory_space<vmem>>, vector<16xf32>,
        %parallel_loop3A_251 = arith.index_cast %parallel_loop3A_190 : i32 to index
        %parallel_loop3A_252 = arith.constant 64 : index
        %parallel_loop3A_253 = tpu.vector_load %arg5[%parallel_loop3A_251, %parallel_loop3A_252] {strides = array<i32>} : memref<50x128xi32, #tpu.memory_space<vmem>>, vector<16xi32>,
        %parallel_loop3A_254 = tpu.vector_load_idx %arg6[%parallel_loop3A_253, %broadcast_in_dim3A_113, %add3A_103] : memref<200x2x128xf32, #tpu.memory_space<vmem>>[vector<16xi32>, vector<16xi32>, vector<16xi32>], vector<16xf32>,
        %parallel_loop3A_255 = arith.constant 0 : i32
        %parallel_loop3A_256 = arith.index_cast %parallel_loop3A_190 : i32 to index
        %parallel_loop3A_257 = arith.index_cast %parallel_loop3A_255 : i32 to index
        %parallel_loop3A_258 = arith.constant 64 : index
        %parallel_loop3A_259 = tpu.vector_load %arg8[%parallel_loop3A_256, %parallel_loop3A_257, %parallel_loop3A_258] {strides = array<i32>} : memref<50x2x128xf32, #tpu.memory_space<vmem>>, vector<16xf32>,
        tpu.vector_store %arg8[%parallel_loop3A_256, %parallel_loop3A_257, %parallel_loop3A_258], %parallel_loop3A_254 {strides = array<i32>} : memref<50x2x128xf32, #tpu.memory_space<vmem>>, vector<16xf32>,
        %parallel_loop3A_260 = tpu.vector_load_idx %arg6[%parallel_loop3A_253, %broadcast_in_dim3A_115, %add3A_103] : memref<200x2x128xf32, #tpu.memory_space<vmem>>[vector<16xi32>, vector<16xi32>, vector<16xi32>], vector<16xf32>,
        %parallel_loop3A_261 = arith.constant 1 : i32
        %parallel_loop3A_262 = arith.index_cast %parallel_loop3A_190 : i32 to index
        %parallel_loop3A_263 = arith.index_cast %parallel_loop3A_261 : i32 to index
        %parallel_loop3A_264 = arith.constant 64 : index
        %parallel_loop3A_265 = tpu.vector_load %arg8[%parallel_loop3A_262, %parallel_loop3A_263, %parallel_loop3A_264] {strides = array<i32>} : memref<50x2x128xf32, #tpu.memory_space<vmem>>, vector<16xf32>,
        tpu.vector_store %arg8[%parallel_loop3A_262, %parallel_loop3A_263, %parallel_loop3A_264], %parallel_loop3A_260 {strides = array<i32>} : memref<50x2x128xf32, #tpu.memory_space<vmem>>, vector<16xf32>,
        %parallel_loop3A_266 = arith.index_cast %parallel_loop3A_190 : i32 to index
        %parallel_loop3A_267 = arith.constant 80 : index
        %parallel_loop3A_268 = tpu.vector_load %arg5[%parallel_loop3A_266, %parallel_loop3A_267] {strides = array<i32>} : memref<50x128xi32, #tpu.memory_space<vmem>>, vector<16xi32>,
        %parallel_loop3A_269 = tpu.vector_load_idx %arg6[%parallel_loop3A_268, %broadcast_in_dim3A_113, %add3A_106] : memref<200x2x128xf32, #tpu.memory_space<vmem>>[vector<16xi32>, vector<16xi32>, vector<16xi32>], vector<16xf32>,
        %parallel_loop3A_270 = arith.constant 0 : i32
        %parallel_loop3A_271 = arith.index_cast %parallel_loop3A_190 : i32 to index
        %parallel_loop3A_272 = arith.index_cast %parallel_loop3A_270 : i32 to index
        %parallel_loop3A_273 = arith.constant 80 : index
        %parallel_loop3A_274 = tpu.vector_load %arg8[%parallel_loop3A_271, %parallel_loop3A_272, %parallel_loop3A_273] {strides = array<i32>} : memref<50x2x128xf32, #tpu.memory_space<vmem>>, vector<16xf32>,
        tpu.vector_store %arg8[%parallel_loop3A_271, %parallel_loop3A_272, %parallel_loop3A_273], %parallel_loop3A_269 {strides = array<i32>} : memref<50x2x128xf32, #tpu.memory_space<vmem>>, vector<16xf32>,
        %parallel_loop3A_275 = tpu.vector_load_idx %arg6[%parallel_loop3A_268, %broadcast_in_dim3A_115, %add3A_106] : memref<200x2x128xf32, #tpu.memory_space<vmem>>[vector<16xi32>, vector<16xi32>, vector<16xi32>], vector<16xf32>,
        %parallel_loop3A_276 = arith.constant 1 : i32
        %parallel_loop3A_277 = arith.index_cast %parallel_loop3A_190 : i32 to index
        %parallel_loop3A_278 = arith.index_cast %parallel_loop3A_276 : i32 to index
        %parallel_loop3A_279 = arith.constant 80 : index
        %parallel_loop3A_280 = tpu.vector_load %arg8[%parallel_loop3A_277, %parallel_loop3A_278, %parallel_loop3A_279] {strides = array<i32>} : memref<50x2x128xf32, #tpu.memory_space<vmem>>, vector<16xf32>,
        tpu.vector_store %arg8[%parallel_loop3A_277, %parallel_loop3A_278, %parallel_loop3A_279], %parallel_loop3A_275 {strides = array<i32>} : memref<50x2x128xf32, #tpu.memory_space<vmem>>, vector<16xf32>,
        %parallel_loop3A_281 = arith.index_cast %parallel_loop3A_190 : i32 to index
        %parallel_loop3A_282 = arith.constant 96 : index
        %parallel_loop3A_283 = tpu.vector_load %arg5[%parallel_loop3A_281, %parallel_loop3A_282] {strides = array<i32>} : memref<50x128xi32, #tpu.memory_space<vmem>>, vector<16xi32>,
        %parallel_loop3A_284 = tpu.vector_load_idx %arg6[%parallel_loop3A_283, %broadcast_in_dim3A_113, %add3A_109] : memref<200x2x128xf32, #tpu.memory_space<vmem>>[vector<16xi32>, vector<16xi32>, vector<16xi32>], vector<16xf32>,
        %parallel_loop3A_285 = arith.constant 0 : i32
        %parallel_loop3A_286 = arith.index_cast %parallel_loop3A_190 : i32 to index
        %parallel_loop3A_287 = arith.index_cast %parallel_loop3A_285 : i32 to index
        %parallel_loop3A_288 = arith.constant 96 : index
        %parallel_loop3A_289 = tpu.vector_load %arg8[%parallel_loop3A_286, %parallel_loop3A_287, %parallel_loop3A_288] {strides = array<i32>} : memref<50x2x128xf32, #tpu.memory_space<vmem>>, vector<16xf32>,
        tpu.vector_store %arg8[%parallel_loop3A_286, %parallel_loop3A_287, %parallel_loop3A_288], %parallel_loop3A_284 {strides = array<i32>} : memref<50x2x128xf32, #tpu.memory_space<vmem>>, vector<16xf32>,
        %parallel_loop3A_290 = tpu.vector_load_idx %arg6[%parallel_loop3A_283, %broadcast_in_dim3A_115, %add3A_109] : memref<200x2x128xf32, #tpu.memory_space<vmem>>[vector<16xi32>, vector<16xi32>, vector<16xi32>], vector<16xf32>,
        %parallel_loop3A_291 = arith.constant 1 : i32
        %parallel_loop3A_292 = arith.index_cast %parallel_loop3A_190 : i32 to index
        %parallel_loop3A_293 = arith.index_cast %parallel_loop3A_291 : i32 to index
        %parallel_loop3A_294 = arith.constant 96 : index
        %parallel_loop3A_295 = tpu.vector_load %arg8[%parallel_loop3A_292, %parallel_loop3A_293, %parallel_loop3A_294] {strides = array<i32>} : memref<50x2x128xf32, #tpu.memory_space<vmem>>, vector<16xf32>,
        tpu.vector_store %arg8[%parallel_loop3A_292, %parallel_loop3A_293, %parallel_loop3A_294], %parallel_loop3A_290 {strides = array<i32>} : memref<50x2x128xf32, #tpu.memory_space<vmem>>, vector<16xf32>,
        %parallel_loop3A_296 = arith.index_cast %parallel_loop3A_190 : i32 to index
        %parallel_loop3A_297 = arith.constant 112 : index
        %parallel_loop3A_298 = tpu.vector_load %arg5[%parallel_loop3A_296, %parallel_loop3A_297] {strides = array<i32>} : memref<50x128xi32, #tpu.memory_space<vmem>>, vector<16xi32>,
        %parallel_loop3A_299 = tpu.vector_load_idx %arg6[%parallel_loop3A_298, %broadcast_in_dim3A_113, %add3A_112] : memref<200x2x128xf32, #tpu.memory_space<vmem>>[vector<16xi32>, vector<16xi32>, vector<16xi32>], vector<16xf32>,
        %parallel_loop3A_300 = arith.constant 0 : i32
        %parallel_loop3A_301 = arith.index_cast %parallel_loop3A_190 : i32 to index
        %parallel_loop3A_302 = arith.index_cast %parallel_loop3A_300 : i32 to index
        %parallel_loop3A_303 = arith.constant 112 : index
        %parallel_loop3A_304 = tpu.vector_load %arg8[%parallel_loop3A_301, %parallel_loop3A_302, %parallel_loop3A_303] {strides = array<i32>} : memref<50x2x128xf32, #tpu.memory_space<vmem>>, vector<16xf32>,
        tpu.vector_store %arg8[%parallel_loop3A_301, %parallel_loop3A_302, %parallel_loop3A_303], %parallel_loop3A_299 {strides = array<i32>} : memref<50x2x128xf32, #tpu.memory_space<vmem>>, vector<16xf32>,
        %parallel_loop3A_305 = tpu.vector_load_idx %arg6[%parallel_loop3A_298, %broadcast_in_dim3A_115, %add3A_112] : memref<200x2x128xf32, #tpu.memory_space<vmem>>[vector<16xi32>, vector<16xi32>, vector<16xi32>], vector<16xf32>,
        %parallel_loop3A_306 = arith.constant 1 : i32
        %parallel_loop3A_307 = arith.index_cast %parallel_loop3A_190 : i32 to index
        %parallel_loop3A_308 = arith.index_cast %parallel_loop3A_306 : i32 to index
        %parallel_loop3A_309 = arith.constant 112 : index
        %parallel_loop3A_310 = tpu.vector_load %arg8[%parallel_loop3A_307, %parallel_loop3A_308, %parallel_loop3A_309] {strides = array<i32>} : memref<50x2x128xf32, #tpu.memory_space<vmem>>, vector<16xf32>,
        tpu.vector_store %arg8[%parallel_loop3A_307, %parallel_loop3A_308, %parallel_loop3A_309], %parallel_loop3A_305 {strides = array<i32>} : memref<50x2x128xf32, #tpu.memory_space<vmem>>, vector<16xf32>,
      } {sc.loop_unroll_factor = 2 : i64, sc.parallel_access}
      %mul3A_118 = arith.constant 2 : i32
      %mul3A_119 = arith.muli %add3A_80, %mul3A_118 : i32
      %dma_start3A_120 = arith.constant 0 : i32
      %dma_start3A_121 = tpu.memref_slice %arg4[%dma_start3A_120, %mul3A_119, %mul3A_2] : memref<50x64x4096xf32, #tpu.memory_space<hbm>> -> memref<50x2x128xf32, #tpu.memory_space<hbm>>
      %dma_start3A_122 = arith.constant 0 : i32
      %dma_start3A_123 = tpu.memref_slice %arg4[%dma_start3A_122, %mul3A_119, %mul3A_2] : memref<50x64x4096xf32, #tpu.memory_space<hbm>> -> memref<50x2x128xf32, #tpu.memory_space<hbm>>
      tpu.enqueue_dma source(%arg8 : memref<50x2x128xf32, #tpu.memory_space<vmem>>) target(%dma_start3A_123 : memref<50x2x128xf32, #tpu.memory_space<hbm>>) target_semaphore(%arg12 : memref<!tpu.dma_semaphore, #tpu.memory_space<semaphore_mem>>)
      %add3A_124 = arith.constant 2 : i32
      %add3A_125 = arith.addi %add3A_80, %add3A_124 : i32
      %lt3A = arith.constant 32 : i32
      %lt3A_126 = arith.cmpi slt, %add3A_125, %lt3A : i32
      %convert_element_type3A_127 = arith.extui %lt3A_126 : i1 to i32
      %cond3A_128 = arith.constant 0 : i32
      %cond3A_129 = arith.cmpi ne, %convert_element_type3A_127, %cond3A_128 : i32
      scf.if %cond3A_129 {
        %add3A_190 = arith.constant 2 : i32
        %add3A_191 = arith.addi %add3A_80, %add3A_190 : i32
        %mul3A_192 = arith.constant 2 : i32
        %mul3A_193 = arith.muli %add3A_191, %mul3A_192 : i32
        %dma_start3A_194 = arith.constant 0 : i32
        %dma_start3A_195 = arith.constant 0 : i32
        %dma_start3A_196 = arith.constant 0 : i32
        %dma_start3A_197 = tpu.memref_slice %arg6[%dma_start3A_194, %dma_start3A_195, %dma_start3A_196] : memref<200x2x128xf32, #tpu.memory_space<vmem>> -> memref<100x2x128xf32, #tpu.memory_space<vmem>>
        %dma_start3A_198 = arith.constant 0 : i32
        %dma_start3A_199 = tpu.memref_slice %arg2[%dma_start3A_198, %mul3A_193, %mul3A_2] : memref<200x64x4096xf32, #tpu.memory_space<hbm>> -> memref<100x2x128xf32, #tpu.memory_space<hbm>>
        %dma_start3A_200 = arith.constant 0 : i32
        %dma_start3A_201 = arith.constant 0 : i32
        %dma_start3A_202 = arith.constant 0 : i32
        %dma_start3A_203 = tpu.memref_slice %arg6[%dma_start3A_200, %dma_start3A_201, %dma_start3A_202] : memref<200x2x128xf32, #tpu.memory_space<vmem>> -> memref<100x2x128xf32, #tpu.memory_space<vmem>>
        %dma_start3A_204 = arith.constant 0 : i32
        %dma_start3A_205 = tpu.memref_slice %arg2[%dma_start3A_204, %mul3A_193, %mul3A_2] : memref<200x64x4096xf32, #tpu.memory_space<hbm>> -> memref<100x2x128xf32, #tpu.memory_space<hbm>>
        tpu.enqueue_dma source(%dma_start3A_205 : memref<100x2x128xf32, #tpu.memory_space<hbm>>) target(%dma_start3A_203 : memref<100x2x128xf32, #tpu.memory_space<vmem>>) target_semaphore(%arg9 : memref<!tpu.dma_semaphore, #tpu.memory_space<semaphore_mem>>)
        %mul3A_206 = arith.constant 2 : i32
        %mul3A_207 = arith.muli %add3A_191, %mul3A_206 : i32
        %dma_start3A_208 = arith.constant 100 : i32
        %dma_start3A_209 = arith.constant 0 : i32
        %dma_start3A_210 = arith.constant 0 : i32
        %dma_start3A_211 = tpu.memref_slice %arg6[%dma_start3A_208, %dma_start3A_209, %dma_start3A_210] : memref<200x2x128xf32, #tpu.memory_space<vmem>> -> memref<100x2x128xf32, #tpu.memory_space<vmem>>
        %dma_start3A_212 = arith.constant 100 : i32
        %dma_start3A_213 = tpu.memref_slice %arg2[%dma_start3A_212, %mul3A_207, %mul3A_2] : memref<200x64x4096xf32, #tpu.memory_space<hbm>> -> memref<100x2x128xf32, #tpu.memory_space<hbm>>
        %dma_start3A_214 = arith.constant 100 : i32
        %dma_start3A_215 = arith.constant 0 : i32
        %dma_start3A_216 = arith.constant 0 : i32
        %dma_start3A_217 = tpu.memref_slice %arg6[%dma_start3A_214, %dma_start3A_215, %dma_start3A_216] : memref<200x2x128xf32, #tpu.memory_space<vmem>> -> memref<100x2x128xf32, #tpu.memory_space<vmem>>
        %dma_start3A_218 = arith.constant 100 : i32
        %dma_start3A_219 = tpu.memref_slice %arg2[%dma_start3A_218, %mul3A_207, %mul3A_2] : memref<200x64x4096xf32, #tpu.memory_space<hbm>> -> memref<100x2x128xf32, #tpu.memory_space<hbm>>
        tpu.enqueue_dma source(%dma_start3A_219 : memref<100x2x128xf32, #tpu.memory_space<hbm>>) target(%dma_start3A_217 : memref<100x2x128xf32, #tpu.memory_space<vmem>>) target_semaphore(%arg9 : memref<!tpu.dma_semaphore, #tpu.memory_space<semaphore_mem>>)
      } else {
      }
      %mul3A_130 = arith.constant 2 : i32
      %mul3A_131 = arith.muli %scan3A_76, %mul3A_130 : i32
      %add3A_132 = arith.constant 1 : i32
      %add3A_133 = arith.addi %mul3A_131, %add3A_132 : i32
      %dma_wait3A_134 = arith.constant 0 : i32
      %dma_wait3A_135 = arith.constant 0 : i32
      %dma_wait3A_136 = tpu.memref_slice %arg2[%dma_wait3A_134, %dma_wait3A_135, %mul3A_2] : memref<200x64x4096xf32, #tpu.memory_space<hbm>> -> memref<200x2x128xf32, #tpu.memory_space<hbm>>
      %dma_wait3A_137 = arith.constant 0 : i32
      %dma_wait3A_138 = arith.constant 0 : i32
      %dma_wait3A_139 = tpu.memref_slice %arg2[%dma_wait3A_137, %dma_wait3A_138, %mul3A_2] : memref<200x64x4096xf32, #tpu.memory_space<hbm>> -> memref<200x2x128xf32, #tpu.memory_space<hbm>>
      tpu.wait_dma2 semaphore(%arg10 : memref<!tpu.dma_semaphore, #tpu.memory_space<semaphore_mem>>) src(%dma_wait3A_139 : memref<200x2x128xf32, #tpu.memory_space<hbm>>) dst(%arg7 : memref<200x2x128xf32, #tpu.memory_space<vmem>>)
      %ge3A_140 = arith.constant 1 : i32
      %ge3A_141 = arith.cmpi sge, %add3A_133, %ge3A_140 : i32
      %convert_element_type3A_142 = arith.extui %ge3A_141 : i1 to i32
      %cond3A_143 = arith.constant 0 : i32
      %cond3A_144 = arith.cmpi ne, %convert_element_type3A_142, %cond3A_143 : i32
      scf.if %cond3A_144 {
        %dma_wait3A_190 = arith.constant 0 : i32
        %dma_wait3A_191 = arith.constant 0 : i32
        %dma_wait3A_192 = tpu.memref_slice %arg4[%dma_wait3A_190, %dma_wait3A_191, %mul3A_2] : memref<50x64x4096xf32, #tpu.memory_space<hbm>> -> memref<50x2x128xf32, #tpu.memory_space<hbm>>
        %dma_wait3A_193 = arith.constant 0 : i32
        %dma_wait3A_194 = arith.constant 0 : i32
        %dma_wait3A_195 = tpu.memref_slice %arg4[%dma_wait3A_193, %dma_wait3A_194, %mul3A_2] : memref<50x64x4096xf32, #tpu.memory_space<hbm>> -> memref<50x2x128xf32, #tpu.memory_space<hbm>>
        tpu.wait_dma2 semaphore(%arg12 : memref<!tpu.dma_semaphore, #tpu.memory_space<semaphore_mem>>) src(%arg8 : memref<50x2x128xf32, #tpu.memory_space<vmem>>) dst(%dma_wait3A_195 : memref<50x2x128xf32, #tpu.memory_space<hbm>>)
      } else {
      }
      %iota3A_145 = tpu.iota {dimensions = array<i32: 0>} : vector<16xi32>
      %add3A_146 = arith.constant 0 : i32
      %add3A_147 = vector.broadcast %add3A_146 : i32 to vector<16xi32>
      %add3A_148 = arith.addi %iota3A_145, %add3A_147 : vector<16xi32>
      %add3A_149 = arith.constant 16 : i32
      %add3A_150 = vector.broadcast %add3A_149 : i32 to vector<16xi32>
      %add3A_151 = arith.addi %iota3A_145, %add3A_150 : vector<16xi32>
      %add3A_152 = arith.constant 32 : i32
      %add3A_153 = vector.broadcast %add3A_152 : i32 to vector<16xi32>
      %add3A_154 = arith.addi %iota3A_145, %add3A_153 : vector<16xi32>
      %add3A_155 = arith.constant 48 : i32
      %add3A_156 = vector.broadcast %add3A_155 : i32 to vector<16xi32>
      %add3A_157 = arith.addi %iota3A_145, %add3A_156 : vector<16xi32>
      %add3A_158 = arith.constant 64 : i32
      %add3A_159 = vector.broadcast %add3A_158 : i32 to vector<16xi32>
      %add3A_160 = arith.addi %iota3A_145, %add3A_159 : vector<16xi32>
      %add3A_161 = arith.constant 80 : i32
      %add3A_162 = vector.broadcast %add3A_161 : i32 to vector<16xi32>
      %add3A_163 = arith.addi %iota3A_145, %add3A_162 : vector<16xi32>
      %add3A_164 = arith.constant 96 : i32
      %add3A_165 = vector.broadcast %add3A_164 : i32 to vector<16xi32>
      %add3A_166 = arith.addi %iota3A_145, %add3A_165 : vector<16xi32>
      %add3A_167 = arith.constant 112 : i32
      %add3A_168 = vector.broadcast %add3A_167 : i32 to vector<16xi32>
      %add3A_169 = arith.addi %iota3A_145, %add3A_168 : vector<16xi32>
      %broadcast_in_dim3A_170 = arith.constant 0 : i32
      %broadcast_in_dim3A_171 = vector.broadcast %broadcast_in_dim3A_170 : i32 to vector<16xi32>
      %broadcast_in_dim3A_172 = arith.constant 1 : i32
      %broadcast_in_dim3A_173 = vector.broadcast %broadcast_in_dim3A_172 : i32 to vector<16xi32>
      %parallel_loop3A_174 = arith.constant 0 : i32
      %parallel_loop3A_175 = arith.constant 50 : i32
      %parallel_loop3A_176 = arith.constant 1 : i32
      scf.for %parallel_loop3A_190 = %parallel_loop3A_174 to %parallel_loop3A_175 step %parallel_loop3A_176  : i32 {
        %parallel_loop3A_191 = arith.index_cast %parallel_loop3A_190 : i32 to index
        %parallel_loop3A_192 = arith.constant 0 : index
        %parallel_loop3A_193 = tpu.vector_load %arg5[%parallel_loop3A_191, %parallel_loop3A_192] {strides = array<i32>} : memref<50x128xi32, #tpu.memory_space<vmem>>, vector<16xi32>,
        %parallel_loop3A_194 = tpu.vector_load_idx %arg7[%parallel_loop3A_193, %broadcast_in_dim3A_171, %add3A_148] : memref<200x2x128xf32, #tpu.memory_space<vmem>>[vector<16xi32>, vector<16xi32>, vector<16xi32>], vector<16xf32>,
        %parallel_loop3A_195 = arith.constant 0 : i32
        %parallel_loop3A_196 = arith.index_cast %parallel_loop3A_190 : i32 to index
        %parallel_loop3A_197 = arith.index_cast %parallel_loop3A_195 : i32 to index
        %parallel_loop3A_198 = arith.constant 0 : index
        %parallel_loop3A_199 = tpu.vector_load %arg8[%parallel_loop3A_196, %parallel_loop3A_197, %parallel_loop3A_198] {strides = array<i32>} : memref<50x2x128xf32, #tpu.memory_space<vmem>>, vector<16xf32>,
        tpu.vector_store %arg8[%parallel_loop3A_196, %parallel_loop3A_197, %parallel_loop3A_198], %parallel_loop3A_194 {strides = array<i32>} : memref<50x2x128xf32, #tpu.memory_space<vmem>>, vector<16xf32>,
        %parallel_loop3A_200 = tpu.vector_load_idx %arg7[%parallel_loop3A_193, %broadcast_in_dim3A_173, %add3A_148] : memref<200x2x128xf32, #tpu.memory_space<vmem>>[vector<16xi32>, vector<16xi32>, vector<16xi32>], vector<16xf32>,
        %parallel_loop3A_201 = arith.constant 1 : i32
        %parallel_loop3A_202 = arith.index_cast %parallel_loop3A_190 : i32 to index
        %parallel_loop3A_203 = arith.index_cast %parallel_loop3A_201 : i32 to index
        %parallel_loop3A_204 = arith.constant 0 : index
        %parallel_loop3A_205 = tpu.vector_load %arg8[%parallel_loop3A_202, %parallel_loop3A_203, %parallel_loop3A_204] {strides = array<i32>} : memref<50x2x128xf32, #tpu.memory_space<vmem>>, vector<16xf32>,
        tpu.vector_store %arg8[%parallel_loop3A_202, %parallel_loop3A_203, %parallel_loop3A_204], %parallel_loop3A_200 {strides = array<i32>} : memref<50x2x128xf32, #tpu.memory_space<vmem>>, vector<16xf32>,
        %parallel_loop3A_206 = arith.index_cast %parallel_loop3A_190 : i32 to index
        %parallel_loop3A_207 = arith.constant 16 : index
        %parallel_loop3A_208 = tpu.vector_load %arg5[%parallel_loop3A_206, %parallel_loop3A_207] {strides = array<i32>} : memref<50x128xi32, #tpu.memory_space<vmem>>, vector<16xi32>,
        %parallel_loop3A_209 = tpu.vector_load_idx %arg7[%parallel_loop3A_208, %broadcast_in_dim3A_171, %add3A_151] : memref<200x2x128xf32, #tpu.memory_space<vmem>>[vector<16xi32>, vector<16xi32>, vector<16xi32>], vector<16xf32>,
        %parallel_loop3A_210 = arith.constant 0 : i32
        %parallel_loop3A_211 = arith.index_cast %parallel_loop3A_190 : i32 to index
        %parallel_loop3A_212 = arith.index_cast %parallel_loop3A_210 : i32 to index
        %parallel_loop3A_213 = arith.constant 16 : index
        %parallel_loop3A_214 = tpu.vector_load %arg8[%parallel_loop3A_211, %parallel_loop3A_212, %parallel_loop3A_213] {strides = array<i32>} : memref<50x2x128xf32, #tpu.memory_space<vmem>>, vector<16xf32>,
        tpu.vector_store %arg8[%parallel_loop3A_211, %parallel_loop3A_212, %parallel_loop3A_213], %parallel_loop3A_209 {strides = array<i32>} : memref<50x2x128xf32, #tpu.memory_space<vmem>>, vector<16xf32>,
        %parallel_loop3A_215 = tpu.vector_load_idx %arg7[%parallel_loop3A_208, %broadcast_in_dim3A_173, %add3A_151] : memref<200x2x128xf32, #tpu.memory_space<vmem>>[vector<16xi32>, vector<16xi32>, vector<16xi32>], vector<16xf32>,
        %parallel_loop3A_216 = arith.constant 1 : i32
        %parallel_loop3A_217 = arith.index_cast %parallel_loop3A_190 : i32 to index
        %parallel_loop3A_218 = arith.index_cast %parallel_loop3A_216 : i32 to index
        %parallel_loop3A_219 = arith.constant 16 : index
        %parallel_loop3A_220 = tpu.vector_load %arg8[%parallel_loop3A_217, %parallel_loop3A_218, %parallel_loop3A_219] {strides = array<i32>} : memref<50x2x128xf32, #tpu.memory_space<vmem>>, vector<16xf32>,
        tpu.vector_store %arg8[%parallel_loop3A_217, %parallel_loop3A_218, %parallel_loop3A_219], %parallel_loop3A_215 {strides = array<i32>} : memref<50x2x128xf32, #tpu.memory_space<vmem>>, vector<16xf32>,
        %parallel_loop3A_221 = arith.index_cast %parallel_loop3A_190 : i32 to index
        %parallel_loop3A_222 = arith.constant 32 : index
        %parallel_loop3A_223 = tpu.vector_load %arg5[%parallel_loop3A_221, %parallel_loop3A_222] {strides = array<i32>} : memref<50x128xi32, #tpu.memory_space<vmem>>, vector<16xi32>,
        %parallel_loop3A_224 = tpu.vector_load_idx %arg7[%parallel_loop3A_223, %broadcast_in_dim3A_171, %add3A_154] : memref<200x2x128xf32, #tpu.memory_space<vmem>>[vector<16xi32>, vector<16xi32>, vector<16xi32>], vector<16xf32>,
        %parallel_loop3A_225 = arith.constant 0 : i32
        %parallel_loop3A_226 = arith.index_cast %parallel_loop3A_190 : i32 to index
        %parallel_loop3A_227 = arith.index_cast %parallel_loop3A_225 : i32 to index
        %parallel_loop3A_228 = arith.constant 32 : index
        %parallel_loop3A_229 = tpu.vector_load %arg8[%parallel_loop3A_226, %parallel_loop3A_227, %parallel_loop3A_228] {strides = array<i32>} : memref<50x2x128xf32, #tpu.memory_space<vmem>>, vector<16xf32>,
        tpu.vector_store %arg8[%parallel_loop3A_226, %parallel_loop3A_227, %parallel_loop3A_228], %parallel_loop3A_224 {strides = array<i32>} : memref<50x2x128xf32, #tpu.memory_space<vmem>>, vector<16xf32>,
        %parallel_loop3A_230 = tpu.vector_load_idx %arg7[%parallel_loop3A_223, %broadcast_in_dim3A_173, %add3A_154] : memref<200x2x128xf32, #tpu.memory_space<vmem>>[vector<16xi32>, vector<16xi32>, vector<16xi32>], vector<16xf32>,
        %parallel_loop3A_231 = arith.constant 1 : i32
        %parallel_loop3A_232 = arith.index_cast %parallel_loop3A_190 : i32 to index
        %parallel_loop3A_233 = arith.index_cast %parallel_loop3A_231 : i32 to index
        %parallel_loop3A_234 = arith.constant 32 : index
        %parallel_loop3A_235 = tpu.vector_load %arg8[%parallel_loop3A_232, %parallel_loop3A_233, %parallel_loop3A_234] {strides = array<i32>} : memref<50x2x128xf32, #tpu.memory_space<vmem>>, vector<16xf32>,
        tpu.vector_store %arg8[%parallel_loop3A_232, %parallel_loop3A_233, %parallel_loop3A_234], %parallel_loop3A_230 {strides = array<i32>} : memref<50x2x128xf32, #tpu.memory_space<vmem>>, vector<16xf32>,
        %parallel_loop3A_236 = arith.index_cast %parallel_loop3A_190 : i32 to index
        %parallel_loop3A_237 = arith.constant 48 : index
        %parallel_loop3A_238 = tpu.vector_load %arg5[%parallel_loop3A_236, %parallel_loop3A_237] {strides = array<i32>} : memref<50x128xi32, #tpu.memory_space<vmem>>, vector<16xi32>,
        %parallel_loop3A_239 = tpu.vector_load_idx %arg7[%parallel_loop3A_238, %broadcast_in_dim3A_171, %add3A_157] : memref<200x2x128xf32, #tpu.memory_space<vmem>>[vector<16xi32>, vector<16xi32>, vector<16xi32>], vector<16xf32>,
        %parallel_loop3A_240 = arith.constant 0 : i32
        %parallel_loop3A_241 = arith.index_cast %parallel_loop3A_190 : i32 to index
        %parallel_loop3A_242 = arith.index_cast %parallel_loop3A_240 : i32 to index
        %parallel_loop3A_243 = arith.constant 48 : index
        %parallel_loop3A_244 = tpu.vector_load %arg8[%parallel_loop3A_241, %parallel_loop3A_242, %parallel_loop3A_243] {strides = array<i32>} : memref<50x2x128xf32, #tpu.memory_space<vmem>>, vector<16xf32>,
        tpu.vector_store %arg8[%parallel_loop3A_241, %parallel_loop3A_242, %parallel_loop3A_243], %parallel_loop3A_239 {strides = array<i32>} : memref<50x2x128xf32, #tpu.memory_space<vmem>>, vector<16xf32>,
        %parallel_loop3A_245 = tpu.vector_load_idx %arg7[%parallel_loop3A_238, %broadcast_in_dim3A_173, %add3A_157] : memref<200x2x128xf32, #tpu.memory_space<vmem>>[vector<16xi32>, vector<16xi32>, vector<16xi32>], vector<16xf32>,
        %parallel_loop3A_246 = arith.constant 1 : i32
        %parallel_loop3A_247 = arith.index_cast %parallel_loop3A_190 : i32 to index
        %parallel_loop3A_248 = arith.index_cast %parallel_loop3A_246 : i32 to index
        %parallel_loop3A_249 = arith.constant 48 : index
        %parallel_loop3A_250 = tpu.vector_load %arg8[%parallel_loop3A_247, %parallel_loop3A_248, %parallel_loop3A_249] {strides = array<i32>} : memref<50x2x128xf32, #tpu.memory_space<vmem>>, vector<16xf32>,
        tpu.vector_store %arg8[%parallel_loop3A_247, %parallel_loop3A_248, %parallel_loop3A_249], %parallel_loop3A_245 {strides = array<i32>} : memref<50x2x128xf32, #tpu.memory_space<vmem>>, vector<16xf32>,
        %parallel_loop3A_251 = arith.index_cast %parallel_loop3A_190 : i32 to index
        %parallel_loop3A_252 = arith.constant 64 : index
        %parallel_loop3A_253 = tpu.vector_load %arg5[%parallel_loop3A_251, %parallel_loop3A_252] {strides = array<i32>} : memref<50x128xi32, #tpu.memory_space<vmem>>, vector<16xi32>,
        %parallel_loop3A_254 = tpu.vector_load_idx %arg7[%parallel_loop3A_253, %broadcast_in_dim3A_171, %add3A_160] : memref<200x2x128xf32, #tpu.memory_space<vmem>>[vector<16xi32>, vector<16xi32>, vector<16xi32>], vector<16xf32>,
        %parallel_loop3A_255 = arith.constant 0 : i32
        %parallel_loop3A_256 = arith.index_cast %parallel_loop3A_190 : i32 to index
        %parallel_loop3A_257 = arith.index_cast %parallel_loop3A_255 : i32 to index
        %parallel_loop3A_258 = arith.constant 64 : index
        %parallel_loop3A_259 = tpu.vector_load %arg8[%parallel_loop3A_256, %parallel_loop3A_257, %parallel_loop3A_258] {strides = array<i32>} : memref<50x2x128xf32, #tpu.memory_space<vmem>>, vector<16xf32>,
        tpu.vector_store %arg8[%parallel_loop3A_256, %parallel_loop3A_257, %parallel_loop3A_258], %parallel_loop3A_254 {strides = array<i32>} : memref<50x2x128xf32, #tpu.memory_space<vmem>>, vector<16xf32>,
        %parallel_loop3A_260 = tpu.vector_load_idx %arg7[%parallel_loop3A_253, %broadcast_in_dim3A_173, %add3A_160] : memref<200x2x128xf32, #tpu.memory_space<vmem>>[vector<16xi32>, vector<16xi32>, vector<16xi32>], vector<16xf32>,
        %parallel_loop3A_261 = arith.constant 1 : i32
        %parallel_loop3A_262 = arith.index_cast %parallel_loop3A_190 : i32 to index
        %parallel_loop3A_263 = arith.index_cast %parallel_loop3A_261 : i32 to index
        %parallel_loop3A_264 = arith.constant 64 : index
        %parallel_loop3A_265 = tpu.vector_load %arg8[%parallel_loop3A_262, %parallel_loop3A_263, %parallel_loop3A_264] {strides = array<i32>} : memref<50x2x128xf32, #tpu.memory_space<vmem>>, vector<16xf32>,
        tpu.vector_store %arg8[%parallel_loop3A_262, %parallel_loop3A_263, %parallel_loop3A_264], %parallel_loop3A_260 {strides = array<i32>} : memref<50x2x128xf32, #tpu.memory_space<vmem>>, vector<16xf32>,
        %parallel_loop3A_266 = arith.index_cast %parallel_loop3A_190 : i32 to index
        %parallel_loop3A_267 = arith.constant 80 : index
        %parallel_loop3A_268 = tpu.vector_load %arg5[%parallel_loop3A_266, %parallel_loop3A_267] {strides = array<i32>} : memref<50x128xi32, #tpu.memory_space<vmem>>, vector<16xi32>,
        %parallel_loop3A_269 = tpu.vector_load_idx %arg7[%parallel_loop3A_268, %broadcast_in_dim3A_171, %add3A_163] : memref<200x2x128xf32, #tpu.memory_space<vmem>>[vector<16xi32>, vector<16xi32>, vector<16xi32>], vector<16xf32>,
        %parallel_loop3A_270 = arith.constant 0 : i32
        %parallel_loop3A_271 = arith.index_cast %parallel_loop3A_190 : i32 to index
        %parallel_loop3A_272 = arith.index_cast %parallel_loop3A_270 : i32 to index
        %parallel_loop3A_273 = arith.constant 80 : index
        %parallel_loop3A_274 = tpu.vector_load %arg8[%parallel_loop3A_271, %parallel_loop3A_272, %parallel_loop3A_273] {strides = array<i32>} : memref<50x2x128xf32, #tpu.memory_space<vmem>>, vector<16xf32>,
        tpu.vector_store %arg8[%parallel_loop3A_271, %parallel_loop3A_272, %parallel_loop3A_273], %parallel_loop3A_269 {strides = array<i32>} : memref<50x2x128xf32, #tpu.memory_space<vmem>>, vector<16xf32>,
        %parallel_loop3A_275 = tpu.vector_load_idx %arg7[%parallel_loop3A_268, %broadcast_in_dim3A_173, %add3A_163] : memref<200x2x128xf32, #tpu.memory_space<vmem>>[vector<16xi32>, vector<16xi32>, vector<16xi32>], vector<16xf32>,
        %parallel_loop3A_276 = arith.constant 1 : i32
        %parallel_loop3A_277 = arith.index_cast %parallel_loop3A_190 : i32 to index
        %parallel_loop3A_278 = arith.index_cast %parallel_loop3A_276 : i32 to index
        %parallel_loop3A_279 = arith.constant 80 : index
        %parallel_loop3A_280 = tpu.vector_load %arg8[%parallel_loop3A_277, %parallel_loop3A_278, %parallel_loop3A_279] {strides = array<i32>} : memref<50x2x128xf32, #tpu.memory_space<vmem>>, vector<16xf32>,
        tpu.vector_store %arg8[%parallel_loop3A_277, %parallel_loop3A_278, %parallel_loop3A_279], %parallel_loop3A_275 {strides = array<i32>} : memref<50x2x128xf32, #tpu.memory_space<vmem>>, vector<16xf32>,
        %parallel_loop3A_281 = arith.index_cast %parallel_loop3A_190 : i32 to index
        %parallel_loop3A_282 = arith.constant 96 : index
        %parallel_loop3A_283 = tpu.vector_load %arg5[%parallel_loop3A_281, %parallel_loop3A_282] {strides = array<i32>} : memref<50x128xi32, #tpu.memory_space<vmem>>, vector<16xi32>,
        %parallel_loop3A_284 = tpu.vector_load_idx %arg7[%parallel_loop3A_283, %broadcast_in_dim3A_171, %add3A_166] : memref<200x2x128xf32, #tpu.memory_space<vmem>>[vector<16xi32>, vector<16xi32>, vector<16xi32>], vector<16xf32>,
        %parallel_loop3A_285 = arith.constant 0 : i32
        %parallel_loop3A_286 = arith.index_cast %parallel_loop3A_190 : i32 to index
        %parallel_loop3A_287 = arith.index_cast %parallel_loop3A_285 : i32 to index
        %parallel_loop3A_288 = arith.constant 96 : index
        %parallel_loop3A_289 = tpu.vector_load %arg8[%parallel_loop3A_286, %parallel_loop3A_287, %parallel_loop3A_288] {strides = array<i32>} : memref<50x2x128xf32, #tpu.memory_space<vmem>>, vector<16xf32>,
        tpu.vector_store %arg8[%parallel_loop3A_286, %parallel_loop3A_287, %parallel_loop3A_288], %parallel_loop3A_284 {strides = array<i32>} : memref<50x2x128xf32, #tpu.memory_space<vmem>>, vector<16xf32>,
        %parallel_loop3A_290 = tpu.vector_load_idx %arg7[%parallel_loop3A_283, %broadcast_in_dim3A_173, %add3A_166] : memref<200x2x128xf32, #tpu.memory_space<vmem>>[vector<16xi32>, vector<16xi32>, vector<16xi32>], vector<16xf32>,
        %parallel_loop3A_291 = arith.constant 1 : i32
        %parallel_loop3A_292 = arith.index_cast %parallel_loop3A_190 : i32 to index
        %parallel_loop3A_293 = arith.index_cast %parallel_loop3A_291 : i32 to index
        %parallel_loop3A_294 = arith.constant 96 : index
        %parallel_loop3A_295 = tpu.vector_load %arg8[%parallel_loop3A_292, %parallel_loop3A_293, %parallel_loop3A_294] {strides = array<i32>} : memref<50x2x128xf32, #tpu.memory_space<vmem>>, vector<16xf32>,
        tpu.vector_store %arg8[%parallel_loop3A_292, %parallel_loop3A_293, %parallel_loop3A_294], %parallel_loop3A_290 {strides = array<i32>} : memref<50x2x128xf32, #tpu.memory_space<vmem>>, vector<16xf32>,
        %parallel_loop3A_296 = arith.index_cast %parallel_loop3A_190 : i32 to index
        %parallel_loop3A_297 = arith.constant 112 : index
        %parallel_loop3A_298 = tpu.vector_load %arg5[%parallel_loop3A_296, %parallel_loop3A_297] {strides = array<i32>} : memref<50x128xi32, #tpu.memory_space<vmem>>, vector<16xi32>,
        %parallel_loop3A_299 = tpu.vector_load_idx %arg7[%parallel_loop3A_298, %broadcast_in_dim3A_171, %add3A_169] : memref<200x2x128xf32, #tpu.memory_space<vmem>>[vector<16xi32>, vector<16xi32>, vector<16xi32>], vector<16xf32>,
        %parallel_loop3A_300 = arith.constant 0 : i32
        %parallel_loop3A_301 = arith.index_cast %parallel_loop3A_190 : i32 to index
        %parallel_loop3A_302 = arith.index_cast %parallel_loop3A_300 : i32 to index
        %parallel_loop3A_303 = arith.constant 112 : index
        %parallel_loop3A_304 = tpu.vector_load %arg8[%parallel_loop3A_301, %parallel_loop3A_302, %parallel_loop3A_303] {strides = array<i32>} : memref<50x2x128xf32, #tpu.memory_space<vmem>>, vector<16xf32>,
        tpu.vector_store %arg8[%parallel_loop3A_301, %parallel_loop3A_302, %parallel_loop3A_303], %parallel_loop3A_299 {strides = array<i32>} : memref<50x2x128xf32, #tpu.memory_space<vmem>>, vector<16xf32>,
        %parallel_loop3A_305 = tpu.vector_load_idx %arg7[%parallel_loop3A_298, %broadcast_in_dim3A_173, %add3A_169] : memref<200x2x128xf32, #tpu.memory_space<vmem>>[vector<16xi32>, vector<16xi32>, vector<16xi32>], vector<16xf32>,
        %parallel_loop3A_306 = arith.constant 1 : i32
        %parallel_loop3A_307 = arith.index_cast %parallel_loop3A_190 : i32 to index
        %parallel_loop3A_308 = arith.index_cast %parallel_loop3A_306 : i32 to index
        %parallel_loop3A_309 = arith.constant 112 : index
        %parallel_loop3A_310 = tpu.vector_load %arg8[%parallel_loop3A_307, %parallel_loop3A_308, %parallel_loop3A_309] {strides = array<i32>} : memref<50x2x128xf32, #tpu.memory_space<vmem>>, vector<16xf32>,
        tpu.vector_store %arg8[%parallel_loop3A_307, %parallel_loop3A_308, %parallel_loop3A_309], %parallel_loop3A_305 {strides = array<i32>} : memref<50x2x128xf32, #tpu.memory_space<vmem>>, vector<16xf32>,
      } {sc.loop_unroll_factor = 2 : i64, sc.parallel_access}
      %mul3A_177 = arith.constant 2 : i32
      %mul3A_178 = arith.muli %add3A_133, %mul3A_177 : i32
      %dma_start3A_179 = arith.constant 0 : i32
      %dma_start3A_180 = tpu.memref_slice %arg4[%dma_start3A_179, %mul3A_178, %mul3A_2] : memref<50x64x4096xf32, #tpu.memory_space<hbm>> -> memref<50x2x128xf32, #tpu.memory_space<hbm>>
      %dma_start3A_181 = arith.constant 0 : i32
      %dma_start3A_182 = tpu.memref_slice %arg4[%dma_start3A_181, %mul3A_178, %mul3A_2] : memref<50x64x4096xf32, #tpu.memory_space<hbm>> -> memref<50x2x128xf32, #tpu.memory_space<hbm>>
      tpu.enqueue_dma source(%arg8 : memref<50x2x128xf32, #tpu.memory_space<vmem>>) target(%dma_start3A_182 : memref<50x2x128xf32, #tpu.memory_space<hbm>>) target_semaphore(%arg12 : memref<!tpu.dma_semaphore, #tpu.memory_space<semaphore_mem>>)
      %add3A_183 = arith.constant 2 : i32
      %add3A_184 = arith.addi %add3A_133, %add3A_183 : i32
      %lt3A_185 = arith.constant 32 : i32
      %lt3A_186 = arith.cmpi slt, %add3A_184, %lt3A_185 : i32
      %convert_element_type3A_187 = arith.extui %lt3A_186 : i1 to i32
      %cond3A_188 = arith.constant 0 : i32
      %cond3A_189 = arith.cmpi ne, %convert_element_type3A_187, %cond3A_188 : i32
      scf.if %cond3A_189 {
        %add3A_190 = arith.constant 2 : i32
        %add3A_191 = arith.addi %add3A_133, %add3A_190 : i32
        %mul3A_192 = arith.constant 2 : i32
        %mul3A_193 = arith.muli %add3A_191, %mul3A_192 : i32
        %dma_start3A_194 = arith.constant 0 : i32
        %dma_start3A_195 = arith.constant 0 : i32
        %dma_start3A_196 = arith.constant 0 : i32
        %dma_start3A_197 = tpu.memref_slice %arg7[%dma_start3A_194, %dma_start3A_195, %dma_start3A_196] : memref<200x2x128xf32, #tpu.memory_space<vmem>> -> memref<100x2x128xf32, #tpu.memory_space<vmem>>
        %dma_start3A_198 = arith.constant 0 : i32
        %dma_start3A_199 = tpu.memref_slice %arg2[%dma_start3A_198, %mul3A_193, %mul3A_2] : memref<200x64x4096xf32, #tpu.memory_space<hbm>> -> memref<100x2x128xf32, #tpu.memory_space<hbm>>
        %dma_start3A_200 = arith.constant 0 : i32
        %dma_start3A_201 = arith.constant 0 : i32
        %dma_start3A_202 = arith.constant 0 : i32
        %dma_start3A_203 = tpu.memref_slice %arg7[%dma_start3A_200, %dma_start3A_201, %dma_start3A_202] : memref<200x2x128xf32, #tpu.memory_space<vmem>> -> memref<100x2x128xf32, #tpu.memory_space<vmem>>
        %dma_start3A_204 = arith.constant 0 : i32
        %dma_start3A_205 = tpu.memref_slice %arg2[%dma_start3A_204, %mul3A_193, %mul3A_2] : memref<200x64x4096xf32, #tpu.memory_space<hbm>> -> memref<100x2x128xf32, #tpu.memory_space<hbm>>
        tpu.enqueue_dma source(%dma_start3A_205 : memref<100x2x128xf32, #tpu.memory_space<hbm>>) target(%dma_start3A_203 : memref<100x2x128xf32, #tpu.memory_space<vmem>>) target_semaphore(%arg10 : memref<!tpu.dma_semaphore, #tpu.memory_space<semaphore_mem>>)
        %mul3A_206 = arith.constant 2 : i32
        %mul3A_207 = arith.muli %add3A_191, %mul3A_206 : i32
        %dma_start3A_208 = arith.constant 100 : i32
        %dma_start3A_209 = arith.constant 0 : i32
        %dma_start3A_210 = arith.constant 0 : i32
        %dma_start3A_211 = tpu.memref_slice %arg7[%dma_start3A_208, %dma_start3A_209, %dma_start3A_210] : memref<200x2x128xf32, #tpu.memory_space<vmem>> -> memref<100x2x128xf32, #tpu.memory_space<vmem>>
        %dma_start3A_212 = arith.constant 100 : i32
        %dma_start3A_213 = tpu.memref_slice %arg2[%dma_start3A_212, %mul3A_207, %mul3A_2] : memref<200x64x4096xf32, #tpu.memory_space<hbm>> -> memref<100x2x128xf32, #tpu.memory_space<hbm>>
        %dma_start3A_214 = arith.constant 100 : i32
        %dma_start3A_215 = arith.constant 0 : i32
        %dma_start3A_216 = arith.constant 0 : i32
        %dma_start3A_217 = tpu.memref_slice %arg7[%dma_start3A_214, %dma_start3A_215, %dma_start3A_216] : memref<200x2x128xf32, #tpu.memory_space<vmem>> -> memref<100x2x128xf32, #tpu.memory_space<vmem>>
        %dma_start3A_218 = arith.constant 100 : i32
        %dma_start3A_219 = tpu.memref_slice %arg2[%dma_start3A_218, %mul3A_207, %mul3A_2] : memref<200x64x4096xf32, #tpu.memory_space<hbm>> -> memref<100x2x128xf32, #tpu.memory_space<hbm>>
        tpu.enqueue_dma source(%dma_start3A_219 : memref<100x2x128xf32, #tpu.memory_space<hbm>>) target(%dma_start3A_217 : memref<100x2x128xf32, #tpu.memory_space<vmem>>) target_semaphore(%arg10 : memref<!tpu.dma_semaphore, #tpu.memory_space<semaphore_mem>>)
      } else {
      }
    }
    %scan3A_69 = arith.constant 16 : i32
    %dma_wait3A_70 = arith.constant 0 : i32
    %dma_wait3A_71 = arith.constant 0 : i32
    %dma_wait3A_72 = tpu.memref_slice %arg4[%dma_wait3A_70, %dma_wait3A_71, %mul3A_2] : memref<50x64x4096xf32, #tpu.memory_space<hbm>> -> memref<50x2x128xf32, #tpu.memory_space<hbm>>
    %dma_wait3A_73 = arith.constant 0 : i32
    %dma_wait3A_74 = arith.constant 0 : i32
    %dma_wait3A_75 = tpu.memref_slice %arg4[%dma_wait3A_73, %dma_wait3A_74, %mul3A_2] : memref<50x64x4096xf32, #tpu.memory_space<hbm>> -> memref<50x2x128xf32, #tpu.memory_space<hbm>>
    tpu.wait_dma2 semaphore(%arg12 : memref<!tpu.dma_semaphore, #tpu.memory_space<semaphore_mem>>) src(%arg8 : memref<50x2x128xf32, #tpu.memory_space<vmem>>) dst(%dma_wait3A_75 : memref<50x2x128xf32, #tpu.memory_space<hbm>>)
    return
  }
}

</mosaic_0001>

<sc_bundles>
// kernel: kernel.3.cloned.1.call-start
scs
__scs_entry_jumppad:
0x0: {  	(pc) =	sbr.rel $0x88, $3  }
0x1: {  	(tag) =	ssettag $0x0;
	lr =	simm.s32 $0x1  }
0x2: {  	[smem:$0x3F9F] =	sst lr;
	_ =	strace $0xD0000000  }
0x3: {  	_ = 	snop  }
0x4: {  	_ = 	snop  }
0x5: {  	_ = 	snop  }
0x6: {  	_ = 	snop  }
0x7: {  	_ = 	snop  }
__scs_overlays_trampoline_lowered:
0x8: {  	[smem:$0x3FAE] =	sst s0  }
0x9: {  	[smem:$0x3FAF] =	sst s1  }
0xa: {  	[smem:$0x3FB0] =	sst s2  }
0xb: {  	[smem:$0x3FB1] =	sst s3  }
0xc: {  	[smem:$0x3FB2] =	sst s4  }
0xd: {  	[smem:$0x3FB3] =	sst s5  }
0xe: {  	[smem:$0x3FB4] =	sst s6  }
0xf: {  	[smem:$0x3FB5] =	sst s7  }
0x10: {  	[smem:$0x3FB6] =	sst s8  }
0x11: {  	[smem:$0x3FB7] =	sst s9;
	s0 =	simm.s32 @!p0 $0x0  }
0x12: {  	s1 =	sld [smem:$0x3F9D];
	s0 =	simm.s32 @p0 $0x1  }
0x13: {  	[smem:$0x3FB8] =	sst s0;
	s0 =	simm.s32 @!p1 $0x0  }
0x14: {  	s2 =	sld [smem:$0x3F9C];
	s0 =	simm.s32 @p1 $0x1  }
0x15: {  	[smem:$0x3FB9] =	sst s0;
	s0 =	simm.s32 @!p2 $0x0  }
0x16: {  	s3 =	sld [smem:$0x3FDB];
	s0 =	simm.s32 @p2 $0x1  }
0x17: {  	s4 =	simm.s32 $0x1BF5;
	[smem:$0x3FBB] =	sst s0  }
0x18: {  	s0 =	sld [smem:$0x3F9E];
	_ =	swait.ge [sflag:s4], $0x0  }
0x19: {  	s7 =	sld [smem:$0x3F9F]  }
0x1a: {  	s8 =	sadd.s32 $0xFFFFE003, lr  }
0x1b: {  	s9 =	sadd.s32 $0xFFFFFEF7, lr;
	s5 =	simm.s32 $0xFFFFFFFF;
	p2 =	slt.u32 s8, $0xFFFFF086  }
0x1c: {  	p1 =	slt.u32 s9, $0xF7A;
	s5 =	simm.s32 @!p2 $0x0  }
0x1d: {  	s5 =	simm.s32 @p1 $0x1;
	p0 =	seq.s32 s7, s2  }
0x1e: {  	s7 =	smul.u32 @!p0 $0xF7A, s2;
	p2 =	seq.s32 @!p0 s5, $0x0  }
0x1f: {  	s9 =	smul.u32 $0xF7A, s1;
	s8 =	simm.s32 @!p0 $0x1BF5;
	p2 =	por !p2, p0  }
0x20: {  	[sflag:s8] =	ssyncset.s32 @!p0 $0xFFFFF086;
	s6 =	sadd.s32 @!p0 s3, s7;
	s7 =	simm.s32 @!p0 $0x108  }
0x21: {  	s3 =	sadd.s32 s3, s9;
	s6 =	sadd.s32 @!p0 $0x88, s6;
	s7 =	simm.s32 @p2 $0x1082  }
0x22: {  	[simem:s7], [sflag:s8] =	dma.local @!p0 [hbm:s6], $0xF7A  }
0x23: {  	s9 =	sor.u32 $0xD0000000, s2;
	s6 =	simm.s32 $0x108;
	_ =	swait.ge @!p0 [sflag:s8], $0x0  }
0x24: {  	s3 =	sadd.s32 $0x88, s3;
	s6 =	simm.s32 @!p1 $0x1082;
	[sflag:s4] =	ssyncset.s32 $0xFFFFF086  }
0x25: {  	[simem:s6], [sflag:s4] =	dma.local [hbm:s3], $0xF7A  }
0x26: {  	[smem:$0x3F9F] =	sst s1;
	(tag) =	ssettag s2;
	_ =	strace s9  }
0x27: {  	s1 =	sld [smem:$0x3FAF]  }
0x28: {  	s2 =	sld [smem:$0x3FB0]  }
0x29: {  	s4 =	sld [smem:$0x3FB2]  }
0x2a: {  	p0 =	seq.s32 s5, $0x0;
	s5 =	sld [smem:$0x3FB3]  }
0x2b: {  	s6 =	sld [smem:$0x3FB4]  }
0x2c: {  	s7 =	sld [smem:$0x3FB5]  }
0x2d: {  	s3 =	simm.s32 $0x108;
	s8 =	sld [smem:$0x3FB6]  }
0x2e: {  	s3 =	simm.s32 @!p0 $0x1082;
	s9 =	sld [smem:$0x3FB7]  }
0x2f: {  	lr =	sadd.s32 s0, s3;
	s0 =	sld [smem:$0x3FAE]  }
0x30: {  	s3 =	sld [smem:$0x3FB1]  }
0x31: {  	[smem:$0x3FBA] =	sst s10  }
0x32: {  	s10 =	sld [smem:$0x3FB8];
	_ =	sdelay $0x3  }
0x33: {  	p0 =	seq.s32 s10, $0x1;
	s10 =	sld [smem:$0x3FBA];
	_ =	sdelay $0x3  }
0x34: {  	[smem:$0x3FBA] =	sst s10  }
0x35: {  	s10 =	sld [smem:$0x3FB9];
	_ =	sdelay $0x3  }
0x36: {  	p1 =	seq.s32 s10, $0x1;
	s10 =	sld [smem:$0x3FBA];
	_ =	sdelay $0x3  }
0x37: {  	[smem:$0x3FBA] =	sst s10  }
0x38: {  	s10 =	sld [smem:$0x3FBB]  }
0x39: {  	_ = 	snop;
	(pc) =	sbr.ind lr, $3  }
0x3a: {  	_ = 	snop  }
0x3b: {  	_ = 	snop  }
0x3c: {  	p2 =	seq.s32 s10, $0x1;
	s10 =	sld [smem:$0x3FBA]  }
0x3d: {  	_ =	shalt  }
0x3e: {  	_ =	shalt  }
0x3f: {  	_ =	shalt  }
0x40: {  	_ =	shalt  }
0x41: {  	_ =	shalt  }
0x42: {  	_ =	shalt  }
0x43: {  	_ =	shalt  }
0x44: {  	_ =	shalt  }
0x45: {  	_ =	shalt  }
0x46: {  	_ =	shalt  }
0x47: {  	_ =	shalt  }
0x48: {  	_ =	shalt  }
0x49: {  	_ =	shalt  }
0x4a: {  	_ =	shalt  }
0x4b: {  	_ =	shalt  }
0x4c: {  	_ =	shalt  }
0x4d: {  	_ =	shalt  }
0x4e: {  	_ =	shalt  }
0x4f: {  	_ =	shalt  }
0x50: {  	_ =	shalt  }
0x51: {  	_ =	shalt  }
0x52: {  	_ =	shalt  }
0x53: {  	_ =	shalt  }
0x54: {  	_ =	shalt  }
0x55: {  	_ =	shalt  }
0x56: {  	_ =	shalt  }
0x57: {  	_ =	shalt  }
0x58: {  	_ =	shalt  }
0x59: {  	_ =	shalt  }
0x5a: {  	_ =	shalt  }
0x5b: {  	_ =	shalt  }
0x5c: {  	_ =	shalt  }
0x5d: {  	_ =	shalt  }
0x5e: {  	_ =	shalt  }
0x5f: {  	_ =	shalt  }
0x60: {  	_ =	shalt  }
0x61: {  	_ =	shalt  }
0x62: {  	_ =	shalt  }
0x63: {  	_ =	shalt  }
0x64: {  	_ =	shalt  }
0x65: {  	_ =	shalt  }
0x66: {  	_ =	shalt  }
0x67: {  	_ =	shalt  }
0x68: {  	_ =	shalt  }
0x69: {  	_ =	shalt  }
0x6a: {  	_ =	shalt  }
0x6b: {  	_ =	shalt  }
0x6c: {  	_ =	shalt  }
0x6d: {  	_ =	shalt  }
0x6e: {  	_ =	shalt  }
0x6f: {  	_ =	shalt  }
0x70: {  	_ =	shalt  }
0x71: {  	_ =	shalt  }
0x72: {  	_ =	shalt  }
0x73: {  	_ =	shalt  }
0x74: {  	_ =	shalt  }
0x75: {  	_ =	shalt  }
0x76: {  	_ =	shalt  }
0x77: {  	_ =	shalt  }
0x78: {  	_ =	shalt  }
0x79: {  	_ =	shalt  }
0x7a: {  	_ =	shalt  }
0x7b: {  	_ =	shalt  }
0x7c: {  	_ =	shalt  }
0x7d: {  	_ =	shalt  }
0x7e: {  	_ =	shalt  }
0x7f: {  	_ =	shalt  }
0x80: {  	_ =	shalt  }
0x81: {  	_ =	shalt  }
0x82: {  	_ =	shalt  }
0x83: {  	_ =	shalt  }
0x84: {  	_ =	shalt  }
0x85: {  	_ =	shalt  }
0x86: {  	_ =	shalt  }
0x87: {  	_ =	shalt  }
.Lfunc_end0:
.L_simem_size_0:
called_computation_lowered:
.L_overlay_start_0:
0x88: {  	s2 =	sld [smem:$0x3FD9]  }
0x89: {  	s3 =	sld [smem:$0x3FFE];
	_ =	sdelay $0x1  }
0x8a: {  	s1 =	srdreg.scid  }
0x8b: {  	s0 =	sand.u32 $0x1, s1  }
0x8c: {  	s18 =	sshll.u32 s0, $0xA;
	s2 =	sadd.s32 s3, s2  }
0x8d: {  	s2 =	sadd.s32 s2, s18  }
0x8e: {  	[smem:$0x3FC6] =	sst s2  }
0x8f: {  	_ = 	snop  }
0x90: {  	s2 =	sld [smem:$0x3FC9]  }
0x91: {  	s19 =	sld [smem:$0x3FC8]  }
0x92: {  	s4 =	sld [smem:$0x3FD0];
	(tm) =	ssettm $0x1  }
0x93: {  	s5 =	sld [smem:$0x3FFB];
	_ =	sdelay $0x3  }
0x94: {  	_ =	strace s5  }
0x95: {  	s5 =	sld [smem:$0x3FFC];
	_ =	sdelay $0x3  }
0x96: {  	_ =	strace s5  }
0x97: {  	s5 =	sld [smem:$0x3FFD];
	_ =	sdelay $0x3  }
0x98: {  	_ =	strace s5  }
0x99: {  	_ =	strace $0x8FFFFFFF  }
0x9a: {  	s20 =	sld [smem:$0x3FDB];
	_ =	sdelay $0x1  }
0x9b: {  	s6 =	simm.s32 $_scs_section_size  }
0x9c: {  	s7 =	simm.s32 $_size__tile_overlayer_lowered;
	s8 =	simm.s32 $_tile_overlayer_lowered  }
0x9d: {  	s23 =	simm.s32 $0x1BFF;
	s22 =	sshll.u32 s8, $0x1;
	s5 =	sadd.s32 s6, s20  }
0x9e: {  	s9 =	simm.s32 $0x0;
	s21 =	sshll.u32 s7, $0x1;
	s7 =	sadd.s32 s22, s5  }
0x9f: {  	[timem:s9], [sflag:s23] =	dma.local [hbm:s7], s21  }
0xa0: {  	_ =	swait.ge [sflag:s23], s21  }
0xa1: {  	s6 =	ssub.s32 $0x0, s21;
	[sflag:s23] =	ssyncset.done $0x0  }
0xa2: {  	[sflag:s23] =	ssyncadd.s32 s6;
	_ =	sdelay $0x1  }
0xa3: {  	s24 =	simm.s32 $0x1B8B  }
0xa4: {  	_ =	swait.ge [sflag:s24], $0x1  }
0xa5: {  	[sflag:s24] =	ssyncset.done $0x0  }
0xa6: {  	s25 =	simm.s32 $0x1B8E;
	[sflag:s24] =	ssyncadd.s32 $0xFFFFFFFF  }
0xa7: {  	s26 =	simm.s32 $execute0_lowered;
	[smem:$0x3FD2] =	sst s25  }
0xa8: {  	s6 =	sshll.u32 s26, $0x1;
	_ =	strace $0x80000046;
	[dreg:$0x1] =	wrdreg $0xFFFFFFFF  }
0xa9: {  	s28 =	simm.s32 $_size_execute0_lowered;
	s5 =	sadd.s32 s5, s6;
	[dreg:$0x0] =	wrdreg $0x0  }
0xaa: {  	s6 =	sshll.u32 s28, $0x1;
	[dreg:$0x2] =	wrdreg s5  }
0xab: {  	[dreg:$0x3] =	wrdreg s6  }
0xac: {  	[dreg:$0x4] =	wrdreg $0xC0  }
0xad: {  	_ =	task [dreg:s9], $0x5FFFF  }
0xae: {  	[dreg:$0x1] =	wrdreg $0xFFFFFFFF  }
0xaf: {  	[dreg:$0x0] =	wrdreg $0x60  }
0xb0: {  	[dreg:$0x2] =	wrdreg s2  }
0xb1: {  	[dreg:$0x3] =	wrdreg s19  }
0xb2: {  	[dreg:$0x4] =	wrdreg s4  }
0xb3: {  	[dreg:$0x5] =	wrdreg $0x9  }
0xb4: {  	_ =	task.clear_ibuf [dreg:s9], $0x6FFFF;
	_ =	strace $0x90000046  }
0xb5: {  	s29 =	simm.s32 $0x9;
	_ =	strace $0x80000048  }
0xb6: {  	_ =	swait.ge [sflag:s29], $0x1  }
0xb7: {  	[sflag:s29] =	ssyncadd.s32 $0xFFFFFFFF  }
0xb8: {  	_ =	strace $0x90000048  }
0xb9: {  	_ =	sfence  }
0xba: {  	s30 =	sld [smem:$0x0];
	_ =	sdelay $0x2  }
0xbb: {  	s31 =	sshll.u32 s1, $0xD;
	s1 =	sshrl.u32 s1, $0x2  }
0xbc: {  	s3 =	sand.u32 $0x4000, s31;
	s1 =	sadd.s32 s1, s30  }
0xbd: {  	s0 =	sor.u32 s3, s0;
	s1 =	sshll.u32 s1, $0x11  }
0xbe: {  	s0 =	sor.u32 s1, s0  }
0xbf: {  	s0 =	sadd.s32 $0x8F2B, s0  }
0xc0: {  	[sflag:s0] =	ssyncadd.remote.s32 $0x1  }
0xc1: {  	_ =	sfence.sel $0xFFFF  }
0xc2: {  	[dreg:$0x0] =	wrdreg $0xFFFFFFFF;
	(pc) =	sbr.abs _section_cstart, $3  }
0xc3: {  	[dreg:$0x1] =	wrdreg $0xFFFFFFFF  }
0xc4: {  	_ =	task.clear_ibuf [dreg:s9], $0x2FFFF;
	_ =	strace $0x9FFFFFFF  }
0xc5: {  	(tm) =	ssettm $0x7FFFFFFF  }
tec
execute0_lowered:
.L_overlay_start_1:
0x0: {  	(tag) =	ssettag $0x1  }
0x1: {  	s2 =	rddreg [dreg:$0x0]  }
0x2: {  	s0 =	rddreg [dreg:$0x1];
	s1 =	srdreg.scid  }
0x3: {  	s3 =	rddreg [dreg:$0x2];
	s4 =	stileid.u32;
	s6 =	simm.s32 $0x0  }
0x4: {  	s17 =	simm.s32 $0x100;
	s18 =	simm.s32 $0x40000;
	s1 =	sand.u32 $0x1, s1  }
0x5: {  	s19 =	simm.s32 $0x1C00;
	s4 =	sshll.u32 s4, $0xB;
	s5 =	sshll.u32 s1, $0xA  }
0x6: {  	s20 =	simm.s32 $0xE400;
	s21 =	simm.s32 $0x14800;
	s5 =	sor.u32 s5, s4  }
0x7: {  	[smem:$0x7FF] =	sst s6;
	s9 =	sadd.s32 $0x320000, s2;
	s26 =	sshrl.u32 s5, $0x3  }
0x8: {  	s1 =	ssub.s32 $0x2, s1;
	_ =	strace $0x80000047;
	s0 =	sadd.s32 s0, s26  }
0x9: {  	s25 =	sshrl.u32 s1, $0x1;
	s29 =	sadd.s32 s26, s9;
	[dreg:$0x4] =	wrdreg s0  }
0xa: {  	v0 =	vlaneseq.u32;
	s1 =	ssub.s32 s1, s25;
	s28 =	sadd.s32 s2, s26;
	[dreg:$0x7] =	wrdreg s29  }
.Ltmp0:
0xb: {  	v1 =	vor.u32 $0x80, v0;
	v2 =	vor.u32 $0x10, v0;
	v3 =	vor.u32 $0x90, v0;
	s31 =	smax.u32 s1, $0x1;
	[dreg:$0x6] =	wrdreg s28;
	(pc) =	sbr.rel .LBB2_1-.Ltmp0, $4  }
0xc: {  	s23 =	simm.s32 $0x1;
	v4 =	vor.u32 $0x20, v0;
	v5 =	vor.u32 $0xA0, v0;
	v6 =	vor.u32 $0x30, v0;
	s0 =	sadd.s32 $0x6000, s0;
	[dreg:$0xa] =	wrdreg s31  }
0xd: {  	s24 =	simm.s32 $0x1AC00;
	v7 =	vor.u32 $0xB0, v0;
	v8 =	vor.u32 $0x40, v0;
	v9 =	vor.u32 $0xC0, v0;
	s30 =	sadd.s32 $0x20, s28;
	[dreg:$0x5] =	wrdreg s0  }
0xe: {  	v10 =	vor.u32 $0x50, v0;
	v11 =	vor.u32 $0xD0, v0;
	v12 =	vor.u32 $0x60, v0;
	s25 =	simm.s32 $0x2;
	[dreg:$0x8] =	wrdreg s30;
	s0 =	sadd.s32 $0x320020, s28  }
0xf: {  	v13 =	vor.u32 $0xE0, v0;
	v14 =	vor.u32 $0x70, v0;
	v15 =	vor.u32 $0xF0, v0;
	s26 =	simm.s32 $0x4;
	s1 =	simm.s32 $0x0;
	[dreg:$0x9] =	wrdreg s0  }
.LBB2_8:
0x10: {  	_ =	swait.ge [sflag:s26], $0x3200  }
0x11: {  	s1 =	rddreg [dreg:$0xb]  }
0x12: {  	s0 =	rddreg [dreg:$0xa];
	s1 =	sadd.s32 $0x1, s1  }
0x13: {  	p0 =	sne.s32 s1, s0  }
.Ltmp1:
0x14: {  	_ = 	snop;
	(pc) =	sbr.rel @!p0 .LBB2_9-.Ltmp1, $3  }
0x15: {  	_ =	sdelay $0x1  }
0x16: {  	[sflag:s26] =	ssyncset.done $0x0  }
0x17: {  	[sflag:s26] =	ssyncadd.s32 $0xFFFFCE00  }
.LBB2_1:
0x18: {  	[dreg:$0xb] =	wrdreg s1;
	s0 =	simm.s32 $0x0  }
0x19: {  	s13 =	rddreg [dreg:$0x4];
	s4 =	simm.s32 $0x400;
	s6 =	simm.s32 $0x8000  }
0x1a: {  	[tilespmem:s0], [sflag:$0x3] =	stream.strided.gather [hbm4b:s13+s4], $0x1800, s6, s4, $0x38;
	[tilespmem:$0x1DE00] =	vst v63  }
0x1b: {  	s14 =	rddreg [dreg:$0x5];
	s15 =	simm.s32 $0x1800  }
0x1c: {  	[tilespmem:s15], [sflag:$0x3] =	stream.linear.gather [hbm4b:s14+s0], $0x100, $0x38;
	[tilespmem:$0x1DE00] =	vst v63  }
0x1d: {  	s16 =	rddreg [dreg:$0x6]  }
0x1e: {  	[tilespmem:s19], [sflag:$0x1] =	stream.strided.gather [hbm4b:s16+s17], $0x6400, s18, s17, $0x38;
	[tilespmem:$0x1DE00] =	vst v63  }
0x1f: {  	s22 =	rddreg [dreg:$0x7]  }
0x20: {  	[tilespmem:s6], [sflag:$0x1] =	stream.strided.gather [hbm4b:s22+s17], $0x6400, s18, s17, $0x38;
	[tilespmem:$0x1DE00] =	vst v63  }
0x21: {  	s28 =	rddreg [dreg:$0x8]  }
0x22: {  	[tilespmem:s20], [sflag:$0x2] =	stream.strided.gather [hbm4b:s28+s17], $0x6400, s18, s17, $0x38;
	[tilespmem:$0x1DE00] =	vst v63  }
0x23: {  	s30 =	rddreg [dreg:$0x9];
	s31 =	simm.s32 $0x3  }
0x24: {  	[tilespmem:s21], [sflag:$0x2] =	stream.strided.gather [hbm4b:s30+s17], $0x6400, s18, s17, $0x38;
	[tilespmem:$0x1DE00] =	vst v63  }
0x25: {  	_ =	swait.ge [sflag:s31], $0x1900  }
0x26: {  	[sflag:s31] =	ssyncset.done $0x0  }
0x27: {  	s29 =	simm.s32 $0x0;
	[sflag:s31] =	ssyncadd.s32 $0xFFFFE700  }
.LBB2_2:
0x28: {  	_ =	swait.ge [sflag:s23], $0xC800  }
0x29: {  	p0 =	seq.s32 s29, $0x0;
	[sflag:s23] =	ssyncset.done $0x0  }
0x2a: {  	s0 =	simm.s32 @!p0 $0x4;
	[sflag:s23] =	ssyncadd.s32 $0xFFFF3800  }
0x2b: {  	_ =	swait.ge @!p0 [sflag:s0], $0x3200  }
0x2c: {  	[sflag:s0] =	ssyncset.done @!p0 $0x0  }
0x2d: {  	s13 =	simm.s32 $0x80;
	[sflag:s0] =	ssyncadd.s32 @!p0 $0xFFFFCE00  }
0x2e: {  	v16 =	vld [tilespmem:s13+$0x0];
	_ =	sdelay $0x4  }
0x2f: {  	v16 =	vshll.u32 v16, $0x8  }
0x30: {  	v17 =	vor.u32 v0, v16;
	_ =	sdelay $0x4  }
0x31: {  	v17 =	vld.idx.msk [tilespmem:v17+s19+$0x0], $0xffff  }
0x32: {  	v16 =	vor.u32 v1, v16;
	_ =	sdelay $0x2  }
0x33: {  	s0 =	simm.s32 $0x1AD00  }
0x34: {  	[tilespmem:s0+$0x0] =	vst v17;
	v17 =	vld [tilespmem:s13+$0xFFFFFF80]  }
0x35: {  	v16 =	vld.idx.msk [tilespmem:v16+s19+$0x0], $0xffff;
	_ =	sdelay $0x3  }
0x36: {  	v17 =	vshll.u32 v17, $0x8  }
0x37: {  	[tilespmem:s0+$0x80] =	vst v16;
	v18 =	vor.u32 v0, v17  }
0x38: {  	v16 =	vld [tilespmem:s13+$0x10];
	_ =	sdelay $0x3  }
0x39: {  	v18 =	vld.idx.msk [tilespmem:v18+s19+$0x0], $0xffff  }
0x3a: {  	v17 =	vor.u32 v1, v17;
	v16 =	vshll.u32 v16, $0x8  }
0x3b: {  	v19 =	vor.u32 v2, v16;
	_ =	sdelay $0x1  }
0x3c: {  	s31 =	simm.s32 $0x180  }
0x3d: {  	[tilespmem:s0+$0xFFFFFF00] =	vst v18;
	v18 =	vld [tilespmem:s31+$0x0]  }
0x3e: {  	v17 =	vld.idx.msk [tilespmem:v17+s19+$0x0], $0xffff  }
0x3f: {  	v19 =	vld.idx.msk [tilespmem:v19+s19+$0x0], $0xffff  }
0x40: {  	v16 =	vor.u32 v3, v16;
	_ =	sdelay $0x1  }
0x41: {  	v18 =	vshll.u32 v18, $0x8  }
0x42: {  	[tilespmem:s0+$0xFFFFFF80] =	vst v17;
	v21 =	vor.u32 v0, v18  }
0x43: {  	[tilespmem:s0+$0x10] =	vst v19;
	v17 =	vld [tilespmem:s13+$0xFFFFFF90]  }
0x44: {  	v16 =	vld.idx.msk [tilespmem:v16+s19+$0x0], $0xffff;
	_ =	sdelay $0x1  }
0x45: {  	v19 =	vld [tilespmem:s31+$0xFFFFFF80]  }
0x46: {  	v21 =	vld.idx.msk [tilespmem:v21+s19+$0x0], $0xffff  }
0x47: {  	v18 =	vor.u32 v1, v18;
	v17 =	vshll.u32 v17, $0x8  }
0x48: {  	[tilespmem:s0+$0x90] =	vst v16;
	v20 =	vor.u32 v2, v17  }
0x49: {  	v16 =	vld [tilespmem:s13+$0x20]  }
0x4a: {  	s1 =	simm.s32 $0x1AF00;
	v19 =	vshll.u32 v19, $0x8  }
0x4b: {  	v23 =	vor.u32 v0, v19;
	[tilespmem:s1+$0x0] =	vst v21  }
0x4c: {  	v18 =	vld.idx.msk [tilespmem:v18+s19+$0x0], $0xffff  }
0x4d: {  	v20 =	vld.idx.msk [tilespmem:v20+s19+$0x0], $0xffff  }
0x4e: {  	v17 =	vor.u32 v3, v17;
	v16 =	vshll.u32 v16, $0x8  }
0x4f: {  	v22 =	vor.u32 v4, v16  }
0x50: {  	v23 =	vld.idx.msk [tilespmem:v23+s19+$0x0], $0xffff  }
0x51: {  	v19 =	vor.u32 v1, v19;
	[tilespmem:s1+$0x80] =	vst v18  }
0x52: {  	[tilespmem:s0+$0xFFFFFF10] =	vst v20;
	v18 =	vld [tilespmem:s31+$0x10]  }
0x53: {  	v17 =	vld.idx.msk [tilespmem:v17+s19+$0x0], $0xffff  }
0x54: {  	v22 =	vld.idx.msk [tilespmem:v22+s19+$0x0], $0xffff  }
0x55: {  	v16 =	vor.u32 v5, v16;
	[tilespmem:s1+$0xFFFFFF00] =	vst v23  }
0x56: {  	v19 =	vld.idx.msk [tilespmem:v19+s19+$0x0], $0xffff  }
0x57: {  	v18 =	vshll.u32 v18, $0x8  }
0x58: {  	[tilespmem:s0+$0xFFFFFF90] =	vst v17;
	v21 =	vor.u32 v2, v18  }
0x59: {  	[tilespmem:s0+$0x20] =	vst v22;
	v17 =	vld [tilespmem:s13+$0xFFFFFFA0]  }
0x5a: {  	v16 =	vld.idx.msk [tilespmem:v16+s19+$0x0], $0xffff  }
0x5b: {  	[tilespmem:s1+$0xFFFFFF80] =	vst v19  }
0x5c: {  	v19 =	vld [tilespmem:s31+$0xFFFFFF90]  }
0x5d: {  	v21 =	vld.idx.msk [tilespmem:v21+s19+$0x0], $0xffff  }
0x5e: {  	v18 =	vor.u32 v3, v18;
	v17 =	vshll.u32 v17, $0x8  }
0x5f: {  	[tilespmem:s0+$0xA0] =	vst v16;
	v20 =	vor.u32 v4, v17  }
0x60: {  	v16 =	vld [tilespmem:s13+$0x30]  }
0x61: {  	s15 =	simm.s32 $0x280;
	v19 =	vshll.u32 v19, $0x8  }
0x62: {  	v23 =	vor.u32 v2, v19;
	[tilespmem:s1+$0x10] =	vst v21;
	v21 =	vld [tilespmem:s15+$0xFFFFFF80]  }
0x63: {  	v18 =	vld.idx.msk [tilespmem:v18+s19+$0x0], $0xffff  }
0x64: {  	v20 =	vld.idx.msk [tilespmem:v20+s19+$0x0], $0xffff  }
0x65: {  	v17 =	vor.u32 v5, v17;
	v16 =	vshll.u32 v16, $0x8  }
0x66: {  	v22 =	vor.u32 v6, v16  }
0x67: {  	v23 =	vld.idx.msk [tilespmem:v23+s19+$0x0], $0xffff  }
0x68: {  	v19 =	vor.u32 v3, v19;
	v21 =	vshll.u32 v21, $0x8;
	[tilespmem:s1+$0x90] =	vst v18  }
0x69: {  	v25 =	vor.u32 v0, v21;
	[tilespmem:s0+$0xFFFFFF20] =	vst v20;
	v18 =	vld [tilespmem:s31+$0x20]  }
0x6a: {  	v17 =	vld.idx.msk [tilespmem:v17+s19+$0x0], $0xffff  }
0x6b: {  	v22 =	vld.idx.msk [tilespmem:v22+s19+$0x0], $0xffff  }
0x6c: {  	v16 =	vor.u32 v7, v16;
	[tilespmem:s1+$0xFFFFFF10] =	vst v23  }
0x6d: {  	v19 =	vld.idx.msk [tilespmem:v19+s19+$0x0], $0xffff  }
0x6e: {  	v25 =	vld.idx.msk [tilespmem:v25+s19+$0x0], $0xffff  }
0x6f: {  	v21 =	vor.u32 v1, v21;
	[tilespmem:s0+$0xFFFFFFA0] =	vst v17  }
0x70: {  	v18 =	vshll.u32 v18, $0x8;
	v17 =	vld [tilespmem:s15+$0x0];
	[tilespmem:s0+$0x30] =	vst v22  }
0x71: {  	v24 =	vor.u32 v4, v18;
	v16 =	vld.idx.msk [tilespmem:v16+s19+$0x0], $0xffff  }
0x72: {  	s14 =	simm.s32 $0x1B100;
	[tilespmem:s1+$0xFFFFFF90] =	vst v19;
	v20 =	vld [tilespmem:s13+$0xFFFFFFB0]  }
0x73: {  	v19 =	vld [tilespmem:s31+$0xFFFFFFA0];
	[tilespmem:s14+$0xFFFFFF00] =	vst v25  }
0x74: {  	v21 =	vld.idx.msk [tilespmem:v21+s19+$0x0], $0xffff  }
0x75: {  	v17 =	vshll.u32 v17, $0x8  }
0x76: {  	v24 =	vld.idx.msk [tilespmem:v24+s19+$0x0], $0xffff;
	v22 =	vor.u32 v0, v17;
	[tilespmem:s0+$0xB0] =	vst v16  }
0x77: {  	v16 =	vld [tilespmem:s13+$0x40]  }
0x78: {  	v18 =	vor.u32 v5, v18;
	v20 =	vshll.u32 v20, $0x8  }
0x79: {  	v19 =	vshll.u32 v19, $0x8;
	v23 =	vor.u32 v6, v20;
	[tilespmem:s14+$0xFFFFFF80] =	vst v21  }
0x7a: {  	v27 =	vor.u32 v4, v19;
	v21 =	vld [tilespmem:s15+$0xFFFFFF90]  }
0x7b: {  	v22 =	vld.idx.msk [tilespmem:v22+s19+$0x0], $0xffff  }
0x7c: {  	v17 =	vor.u32 v1, v17;
	[tilespmem:s1+$0x20] =	vst v24;
	v16 =	vshll.u32 v16, $0x8  }
0x7d: {  	v18 =	vld.idx.msk [tilespmem:v18+s19+$0x0], $0xffff;
	v26 =	vor.u32 v8, v16  }
0x7e: {  	v23 =	vld.idx.msk [tilespmem:v23+s19+$0x0], $0xffff  }
0x7f: {  	v20 =	vor.u32 v7, v20;
	v27 =	vld.idx.msk [tilespmem:v27+s19+$0x0], $0xffff  }
0x80: {  	v19 =	vor.u32 v5, v19;
	v21 =	vshll.u32 v21, $0x8;
	[tilespmem:s14+$0x0] =	vst v22  }
0x81: {  	v25 =	vor.u32 v2, v21;
	v17 =	vld.idx.msk [tilespmem:v17+s19+$0x0], $0xffff  }
0x82: {  	[tilespmem:s1+$0xA0] =	vst v18;
	v26 =	vld.idx.msk [tilespmem:v26+s19+$0x0], $0xffff  }
0x83: {  	v16 =	vor.u32 v9, v16;
	[tilespmem:s0+$0xFFFFFF30] =	vst v23;
	v18 =	vld [tilespmem:s31+$0x30]  }
0x84: {  	[tilespmem:s1+$0xFFFFFF20] =	vst v27;
	v20 =	vld.idx.msk [tilespmem:v20+s19+$0x0], $0xffff  }
0x85: {  	v19 =	vld.idx.msk [tilespmem:v19+s19+$0x0], $0xffff  }
0x86: {  	v25 =	vld.idx.msk [tilespmem:v25+s19+$0x0], $0xffff;
	[tilespmem:s14+$0x80] =	vst v17  }
0x87: {  	v17 =	vld [tilespmem:s15+$0x10];
	[tilespmem:s0+$0x40] =	vst v26  }
0x88: {  	v21 =	vor.u32 v3, v21;
	v16 =	vld.idx.msk [tilespmem:v16+s19+$0x0], $0xffff  }
0x89: {  	v18 =	vshll.u32 v18, $0x8  }
0x8a: {  	[tilespmem:s0+$0xFFFFFFB0] =	vst v20;
	v24 =	vor.u32 v6, v18  }
0x8b: {  	[tilespmem:s1+$0xFFFFFFA0] =	vst v19;
	v20 =	vld [tilespmem:s13+$0xFFFFFFC0]  }
0x8c: {  	v19 =	vld [tilespmem:s31+$0xFFFFFFB0];
	[tilespmem:s14+$0xFFFFFF10] =	vst v25;
	v17 =	vshll.u32 v17, $0x8  }
0x8d: {  	v21 =	vld.idx.msk [tilespmem:v21+s19+$0x0], $0xffff;
	v22 =	vor.u32 v2, v17;
	[tilespmem:s0+$0xC0] =	vst v16  }
0x8e: {  	v16 =	vld [tilespmem:s13+$0x50]  }
0x8f: {  	v24 =	vld.idx.msk [tilespmem:v24+s19+$0x0], $0xffff  }
0x90: {  	v18 =	vor.u32 v7, v18;
	v20 =	vshll.u32 v20, $0x8  }
0x91: {  	v19 =	vshll.u32 v19, $0x8;
	v23 =	vor.u32 v8, v20  }
0x92: {  	v27 =	vor.u32 v6, v19;
	v22 =	vld.idx.msk [tilespmem:v22+s19+$0x0], $0xffff  }
0x93: {  	v17 =	vor.u32 v3, v17;
	[tilespmem:s14+$0xFFFFFF90] =	vst v21;
	v16 =	vshll.u32 v16, $0x8  }
0x94: {  	[tilespmem:s1+$0x30] =	vst v24;
	v21 =	vld [tilespmem:s15+$0xFFFFFFA0];
	v26 =	vor.u32 v10, v16  }
0x95: {  	v18 =	vld.idx.msk [tilespmem:v18+s19+$0x0], $0xffff  }
0x96: {  	v23 =	vld.idx.msk [tilespmem:v23+s19+$0x0], $0xffff  }
0x97: {  	v27 =	vld.idx.msk [tilespmem:v27+s19+$0x0], $0xffff;
	[tilespmem:s14+$0x10] =	vst v22  }
0x98: {  	v20 =	vor.u32 v9, v20;
	v17 =	vld.idx.msk [tilespmem:v17+s19+$0x0], $0xffff  }
0x99: {  	s7 =	simm.s32 $0x380;
	v26 =	vld.idx.msk [tilespmem:v26+s19+$0x0], $0xffff  }
0x9a: {  	v16 =	vor.u32 v11, v16;
	v22 =	vld [tilespmem:s7+$0x0];
	[tilespmem:s1+$0xB0] =	vst v18  }
0x9b: {  	[tilespmem:s0+$0xFFFFFF40] =	vst v23;
	v23 =	vld [tilespmem:s7+$0xFFFFFF80]  }
0x9c: {  	v18 =	vld [tilespmem:s31+$0x40]  }
0x9d: {  	v20 =	vld.idx.msk [tilespmem:v20+s19+$0x0], $0xffff;
	[tilespmem:s14+$0x90] =	vst v17  }
0x9e: {  	v17 =	vld [tilespmem:s15+$0x20];
	[tilespmem:s0+$0x50] =	vst v26  }
0x9f: {  	v19 =	vor.u32 v7, v19;
	v16 =	vld.idx.msk [tilespmem:v16+s19+$0x0], $0xffff;
	_ =	sdelay $0x1  }
0xa0: {  	v18 =	vshll.u32 v18, $0x8  }
0xa1: {  	v23 =	vshll.u32 v23, $0x8;
	[tilespmem:s0+$0xFFFFFFC0] =	vst v20;
	v20 =	vshll.u32 v21, $0x8;
	v21 =	vor.u32 v8, v18  }
0xa2: {  	[tilespmem:s1+$0xFFFFFF30] =	vst v27;
	v26 =	vor.u32 v0, v23;
	v17 =	vshll.u32 v17, $0x8  }
0xa3: {  	v19 =	vld.idx.msk [tilespmem:v19+s19+$0x0], $0xffff;
	v25 =	vor.u32 v4, v17;
	[tilespmem:s0+$0xD0] =	vst v16;
	v16 =	vshll.u32 v22, $0x8  }
0xa4: {  	v27 =	vld [tilespmem:s13+$0xFFFFFFD0];
	v24 =	vor.u32 v0, v16  }
0xa5: {  	v22 =	vld [tilespmem:s13+$0x60]  }
0xa6: {  	v28 =	vor.u32 v4, v20;
	v21 =	vld.idx.msk [tilespmem:v21+s19+$0x0], $0xffff  }
0xa7: {  	v18 =	vor.u32 v9, v18;
	v26 =	vld.idx.msk [tilespmem:v26+s19+$0x0], $0xffff  }
0xa8: {  	v23 =	vor.u32 v1, v23;
	v25 =	vld.idx.msk [tilespmem:v25+s19+$0x0], $0xffff  }
0xa9: {  	[tilespmem:s1+$0xFFFFFFB0] =	vst v19;
	v17 =	vor.u32 v5, v17;
	v24 =	vld.idx.msk [tilespmem:v24+s19+$0x0], $0xffff  }
0xaa: {  	v19 =	vld [tilespmem:s31+$0xFFFFFFC0];
	v16 =	vor.u32 v1, v16;
	v22 =	vshll.u32 v22, $0x8  }
0xab: {  	s4 =	simm.s32 $0x1B300;
	v28 =	vld.idx.msk [tilespmem:v28+s19+$0x0], $0xffff;
	[tilespmem:s1+$0x40] =	vst v21;
	v29 =	vor.u32 v12, v22  }
0xac: {  	v20 =	vor.u32 v5, v20;
	[tilespmem:s4+$0xFFFFFF00] =	vst v26;
	v18 =	vld.idx.msk [tilespmem:v18+s19+$0x0], $0xffff  }
0xad: {  	v23 =	vld.idx.msk [tilespmem:v23+s19+$0x0], $0xffff;
	[tilespmem:s14+$0x20] =	vst v25  }
0xae: {  	v17 =	vld.idx.msk [tilespmem:v17+s19+$0x0], $0xffff;
	[tilespmem:s4+$0x0] =	vst v24  }
0xaf: {  	v16 =	vld.idx.msk [tilespmem:v16+s19+$0x0], $0xffff  }
0xb0: {  	[tilespmem:s14+$0xFFFFFF20] =	vst v28;
	v24 =	vld.idx.msk [tilespmem:v29+s19+$0x0], $0xffff  }
0xb1: {  	v20 =	vld.idx.msk [tilespmem:v20+s19+$0x0], $0xffff;
	v22 =	vor.u32 v13, v22;
	[tilespmem:s1+$0xC0] =	vst v18  }
0xb2: {  	v18 =	vshll.u32 v19, $0x8;
	[tilespmem:s4+$0xFFFFFF80] =	vst v23;
	v19 =	vld [tilespmem:s31+$0x50]  }
0xb3: {  	v23 =	vld [tilespmem:s7+$0xFFFFFF90];
	[tilespmem:s14+$0xA0] =	vst v17  }
0xb4: {  	v17 =	vld [tilespmem:s15+$0x30];
	[tilespmem:s4+$0x80] =	vst v16  }
0xb5: {  	[tilespmem:s0+$0x60] =	vst v24;
	v21 =	vld [tilespmem:s7+$0x10]  }
0xb6: {  	v16 =	vshll.u32 v27, $0x8;
	v22 =	vld.idx.msk [tilespmem:v22+s19+$0x0], $0xffff  }
0xb7: {  	v24 =	vor.u32 v10, v16  }
0xb8: {  	[tilespmem:s14+$0xFFFFFFA0] =	vst v20;
	v20 =	vor.u32 v8, v18  }
0xb9: {  	v19 =	vshll.u32 v19, $0x8  }
0xba: {  	v35 =	vor.u32 v10, v19;
	v17 =	vshll.u32 v17, $0x8  }
0xbb: {  	v21 =	vshll.u32 v21, $0x8;
	[tilespmem:s0+$0xE0] =	vst v22;
	v22 =	vshll.u32 v23, $0x8;
	v23 =	vor.u32 v6, v17  }
0xbc: {  	v24 =	vld.idx.msk [tilespmem:v24+s19+$0x0], $0xffff;
	v26 =	vor.u32 v2, v21  }
0xbd: {  	v20 =	vld.idx.msk [tilespmem:v20+s19+$0x0], $0xffff;
	v34 =	vor.u32 v2, v22  }
0xbe: {  	v18 =	vor.u32 v9, v18;
	v25 =	vld [tilespmem:s15+$0xFFFFFFB0]  }
0xbf: {  	v29 =	vld.idx.msk [tilespmem:v35+s19+$0x0], $0xffff  }
0xc0: {  	v19 =	vor.u32 v11, v19;
	v23 =	vld.idx.msk [tilespmem:v23+s19+$0x0], $0xffff  }
0xc1: {  	v17 =	vor.u32 v7, v17;
	[tilespmem:s0+$0xFFFFFF50] =	vst v24;
	v24 =	vld.idx.msk [tilespmem:v26+s19+$0x0], $0xffff  }
0xc2: {  	[tilespmem:s1+$0xFFFFFF40] =	vst v20;
	v21 =	vor.u32 v3, v21;
	v28 =	vld.idx.msk [tilespmem:v34+s19+$0x0], $0xffff  }
0xc3: {  	v18 =	vld.idx.msk [tilespmem:v18+s19+$0x0], $0xffff;
	v22 =	vor.u32 v3, v22  }
0xc4: {  	v27 =	vld [tilespmem:s13+$0x70];
	[tilespmem:s1+$0x50] =	vst v29  }
0xc5: {  	v25 =	vshll.u32 v25, $0x8;
	v16 =	vor.u32 v11, v16;
	v19 =	vld.idx.msk [tilespmem:v19+s19+$0x0], $0xffff;
	[tilespmem:s14+$0x30] =	vst v23  }
0xc6: {  	v26 =	vor.u32 v6, v25;
	[tilespmem:s4+$0x10] =	vst v24;
	v17 =	vld.idx.msk [tilespmem:v17+s19+$0x0], $0xffff  }
0xc7: {  	[tilespmem:s4+$0xFFFFFF10] =	vst v28;
	v20 =	vld.idx.msk [tilespmem:v21+s19+$0x0], $0xffff  }
0xc8: {  	s11 =	simm.s32 $0x480;
	v21 =	vld.idx.msk [tilespmem:v22+s19+$0x0], $0xffff  }
0xc9: {  	v22 =	vld [tilespmem:s11+$0x0]  }
0xca: {  	v16 =	vld.idx.msk [tilespmem:v16+s19+$0x0], $0xffff;
	[tilespmem:s1+$0xD0] =	vst v19  }
0xcb: {  	v26 =	vld.idx.msk [tilespmem:v26+s19+$0x0], $0xffff;
	[tilespmem:s14+$0xB0] =	vst v17  }
0xcc: {  	[tilespmem:s4+$0x90] =	vst v20;
	v20 =	vshll.u32 v27, $0x8;
	v27 =	vld [tilespmem:s11+$0xFFFFFF80]  }
0xcd: {  	[tilespmem:s4+$0xFFFFFF90] =	vst v21;
	v21 =	vld [tilespmem:s15+$0x40]  }
0xce: {  	v19 =	vshll.u32 v22, $0x8;
	v22 =	vld [tilespmem:s31+$0x60]  }
0xcf: {  	v17 =	vor.u32 v7, v25;
	v23 =	vld [tilespmem:s7+$0x20]  }
0xd0: {  	[tilespmem:s1+$0xFFFFFFC0] =	vst v18;
	v24 =	vor.u32 v14, v20;
	v25 =	vld [tilespmem:s7+$0xFFFFFFA0]  }
0xd1: {  	[tilespmem:s14+$0xFFFFFF30] =	vst v26;
	v36 =	vor.u32 v0, v19;
	v26 =	vshll.u32 v27, $0x8  }
0xd2: {  	[tilespmem:s0+$0xFFFFFFD0] =	vst v16;
	v16 =	vld [tilespmem:s31+$0xFFFFFFD0];
	v21 =	vshll.u32 v21, $0x8;
	v18 =	vor.u32 v0, v26  }
0xd3: {  	v30 =	vld [tilespmem:s13+$0xFFFFFFE0];
	v22 =	vshll.u32 v22, $0x8;
	v37 =	vor.u32 v8, v21  }
0xd4: {  	v17 =	vld.idx.msk [tilespmem:v17+s19+$0x0], $0xffff;
	v23 =	vshll.u32 v23, $0x8;
	v32 =	vor.u32 v12, v22  }
0xd5: {  	v24 =	vld.idx.msk [tilespmem:v24+s19+$0x0], $0xffff;
	v25 =	vshll.u32 v25, $0x8;
	v27 =	vor.u32 v4, v23  }
0xd6: {  	v28 =	vld.idx.msk [tilespmem:v36+s19+$0x0], $0xffff;
	v31 =	vor.u32 v4, v25  }
0xd7: {  	v19 =	vor.u32 v1, v19;
	v18 =	vld.idx.msk [tilespmem:v18+s19+$0x0], $0xffff  }
0xd8: {  	v29 =	vld.idx.msk [tilespmem:v37+s19+$0x0], $0xffff  }
0xd9: {  	v26 =	vor.u32 v1, v26;
	v38 =	vld.idx.msk [tilespmem:v32+s19+$0x0], $0xffff  }
0xda: {  	s10 =	simm.s32 $0x1B500;
	v21 =	vor.u32 v9, v21;
	[tilespmem:s14+$0xFFFFFFB0] =	vst v17;
	v27 =	vld.idx.msk [tilespmem:v27+s19+$0x0], $0xffff  }
0xdb: {  	v23 =	vor.u32 v5, v23;
	[tilespmem:s10+$0x0] =	vst v28;
	v31 =	vld.idx.msk [tilespmem:v31+s19+$0x0], $0xffff  }
0xdc: {  	v22 =	vor.u32 v13, v22;
	v17 =	vld.idx.msk [tilespmem:v19+s19+$0x0], $0xffff;
	[tilespmem:s10+$0xFFFFFF00] =	vst v18  }
0xdd: {  	v25 =	vor.u32 v5, v25;
	v19 =	vld [tilespmem:s15+$0xFFFFFFC0];
	[tilespmem:s14+$0x40] =	vst v29  }
0xde: {  	[tilespmem:s1+$0x60] =	vst v38;
	v26 =	vld.idx.msk [tilespmem:v26+s19+$0x0], $0xffff  }
0xdf: {  	v16 =	vshll.u32 v16, $0x8;
	v20 =	vor.u32 v15, v20;
	[tilespmem:s4+$0x20] =	vst v27;
	v21 =	vld.idx.msk [tilespmem:v21+s19+$0x0], $0xffff  }
0xe0: {  	[tilespmem:s4+$0xFFFFFF20] =	vst v31;
	v18 =	vld.idx.msk [tilespmem:v23+s19+$0x0], $0xffff;
	v23 =	vor.u32 v10, v16  }
0xe1: {  	[tilespmem:s10+$0x80] =	vst v17;
	v17 =	vld.idx.msk [tilespmem:v22+s19+$0x0], $0xffff  }
0xe2: {  	v25 =	vld.idx.msk [tilespmem:v25+s19+$0x0], $0xffff  }
0xe3: {  	[tilespmem:s0+$0x70] =	vst v24;
	v22 =	vld [tilespmem:s11+$0x10]  }
0xe4: {  	v27 =	vor.u32 v11, v16;
	v16 =	vld.idx.msk [tilespmem:v20+s19+$0x0], $0xffff;
	[tilespmem:s10+$0xFFFFFF80] =	vst v26  }
0xe5: {  	[tilespmem:s4+$0xA0] =	vst v18;
	v18 =	vld.idx.msk [tilespmem:v23+s19+$0x0], $0xffff  }
0xe6: {  	v24 =	vshll.u32 v30, $0x8;
	[tilespmem:s14+$0xC0] =	vst v21;
	v26 =	vld [tilespmem:s11+$0xFFFFFF90]  }
0xe7: {  	v19 =	vshll.u32 v19, $0x8;
	v20 =	vor.u32 v12, v24;
	[tilespmem:s4+$0xFFFFFFA0] =	vst v25;
	v25 =	vld [tilespmem:s15+$0x50]  }
0xe8: {  	v21 =	vor.u32 v8, v19;
	v23 =	vld [tilespmem:s7+$0x30];
	_ =	sdelay $0x1  }
0xe9: {  	s12 =	simm.s32 $0x580;
	v22 =	vshll.u32 v22, $0x8;
	v39 =	vld [tilespmem:s7+$0xFFFFFFB0]  }
0xea: {  	v44 =	vld [tilespmem:s12+$0xFFFFFF80];
	v40 =	vor.u32 v2, v22;
	v26 =	vshll.u32 v26, $0x8  }
0xeb: {  	v20 =	vld.idx.msk [tilespmem:v20+s19+$0x0], $0xffff;
	[tilespmem:s1+$0xFFFFFF50] =	vst v18;
	v25 =	vshll.u32 v25, $0x8;
	v18 =	vor.u32 v2, v26  }
0xec: {  	[tilespmem:s1+$0xE0] =	vst v17;
	v21 =	vld.idx.msk [tilespmem:v21+s19+$0x0], $0xffff;
	v17 =	vshll.u32 v23, $0x8;
	v42 =	vor.u32 v10, v25  }
0xed: {  	v23 =	vld [tilespmem:s31+$0x70];
	v41 =	vor.u32 v6, v17  }
0xee: {  	v19 =	vor.u32 v9, v19;
	v27 =	vld.idx.msk [tilespmem:v27+s19+$0x0], $0xffff;
	v28 =	vshll.u32 v39, $0x8  }
0xef: {  	v29 =	vld.idx.msk [tilespmem:v40+s19+$0x0], $0xffff;
	v43 =	vor.u32 v6, v28  }
0xf0: {  	v46 =	vshll.u32 v44, $0x8;
	v22 =	vor.u32 v3, v22;
	v18 =	vld.idx.msk [tilespmem:v18+s19+$0x0], $0xffff  }
0xf1: {  	v48 =	vor.u32 v0, v46;
	v31 =	vld.idx.msk [tilespmem:v42+s19+$0x0], $0xffff  }
0xf2: {  	v26 =	vor.u32 v3, v26;
	[tilespmem:s14+$0xFFFFFF40] =	vst v21;
	v30 =	vld.idx.msk [tilespmem:v41+s19+$0x0], $0xffff  }
0xf3: {  	v17 =	vor.u32 v7, v17;
	v19 =	vld.idx.msk [tilespmem:v19+s19+$0x0], $0xffff  }
0xf4: {  	v25 =	vor.u32 v11, v25;
	[tilespmem:s10+$0x10] =	vst v29;
	v32 =	vld.idx.msk [tilespmem:v43+s19+$0x0], $0xffff  }
0xf5: {  	v21 =	vld.idx.msk [tilespmem:v22+s19+$0x0], $0xffff;
	[tilespmem:s10+$0xFFFFFF10] =	vst v18  }
0xf6: {  	[tilespmem:s14+$0x50] =	vst v31;
	v31 =	vld.idx.msk [tilespmem:v48+s19+$0x0], $0xffff  }
0xf7: {  	v28 =	vor.u32 v7, v28;
	[tilespmem:s4+$0x30] =	vst v30;
	v18 =	vld.idx.msk [tilespmem:v26+s19+$0x0], $0xffff  }
0xf8: {  	[tilespmem:s0+$0xFFFFFF60] =	vst v20;
	v17 =	vld.idx.msk [tilespmem:v17+s19+$0x0], $0xffff  }
0xf9: {  	[tilespmem:s14+$0xFFFFFFC0] =	vst v19;
	v22 =	vld.idx.msk [tilespmem:v25+s19+$0x0], $0xffff  }
0xfa: {  	v25 =	vld [tilespmem:s12+$0x0];
	[tilespmem:s10+$0x90] =	vst v21  }
0xfb: {  	[tilespmem:s4+$0xFFFFFF30] =	vst v32;
	v26 =	vld [tilespmem:s11+$0x20]  }
0xfc: {  	v19 =	vld.idx.msk [tilespmem:v28+s19+$0x0], $0xffff;
	v28 =	vor.u32 v1, v46;
	[tilespmem:s10+$0xFFFFFF90] =	vst v18  }
0xfd: {  	v23 =	vshll.u32 v23, $0x8;
	[tilespmem:s4+$0xB0] =	vst v17;
	v18 =	vld [tilespmem:s11+$0xFFFFFFA0]  }
0xfe: {  	v21 =	vor.u32 v14, v23;
	[tilespmem:s14+$0xD0] =	vst v22;
	v17 =	vld [tilespmem:s7+$0x40]  }
0xff: {  	s16 =	simm.s32 $0x1B700;
	[tilespmem:s1+$0xFFFFFFD0] =	vst v27;
	v22 =	vor.u32 v13, v24;
	v24 =	vshll.u32 v25, $0x8;
	v25 =	vld [tilespmem:s15+$0x60]  }
0x100: {  	v20 =	vld [tilespmem:s31+$0xFFFFFFE0];
	[tilespmem:s16+$0xFFFFFF00] =	vst v31;
	v45 =	vor.u32 v0, v24;
	v26 =	vshll.u32 v26, $0x8  }
0x101: {  	v28 =	vld.idx.msk [tilespmem:v28+s19+$0x0], $0xffff;
	v47 =	vor.u32 v4, v26  }
0x102: {  	v27 =	vld [tilespmem:s15+$0xFFFFFFD0];
	v18 =	vshll.u32 v18, $0x8  }
0x103: {  	v21 =	vld.idx.msk [tilespmem:v21+s19+$0x0], $0xffff;
	v17 =	vshll.u32 v17, $0x8;
	v33 =	vor.u32 v4, v18  }
0x104: {  	v22 =	vld.idx.msk [tilespmem:v22+s19+$0x0], $0xffff;
	v25 =	vshll.u32 v25, $0x8;
	v49 =	vor.u32 v8, v17  }
0x105: {  	v30 =	vld.idx.msk [tilespmem:v45+s19+$0x0], $0xffff;
	v34 =	vor.u32 v12, v25  }
0x106: {  	v24 =	vor.u32 v1, v24;
	[tilespmem:s16+$0xFFFFFF80] =	vst v28;
	v29 =	vld.idx.msk [tilespmem:v47+s19+$0x0], $0xffff  }
0x107: {  	v54 =	vld [tilespmem:s12+$0xFFFFFF90]  }
0x108: {  	v26 =	vor.u32 v5, v26;
	v33 =	vld.idx.msk [tilespmem:v33+s19+$0x0], $0xffff  }
0x109: {  	v18 =	vor.u32 v5, v18;
	v32 =	vld.idx.msk [tilespmem:v49+s19+$0x0], $0xffff  }
0x10a: {  	v17 =	vor.u32 v9, v17;
	[tilespmem:s16+$0x0] =	vst v30;
	v50 =	vld.idx.msk [tilespmem:v34+s19+$0x0], $0xffff  }
0x10b: {  	[tilespmem:s4+$0xFFFFFFB0] =	vst v19;
	v25 =	vor.u32 v13, v25;
	v19 =	vld.idx.msk [tilespmem:v24+s19+$0x0], $0xffff  }
0x10c: {  	v27 =	vshll.u32 v27, $0x8;
	[tilespmem:s10+$0x20] =	vst v29;
	v24 =	vld [tilespmem:s7+$0xFFFFFFC0]  }
0x10d: {  	v51 =	vor.u32 v10, v27;
	v26 =	vld.idx.msk [tilespmem:v26+s19+$0x0], $0xffff;
	[tilespmem:s10+$0xFFFFFF20] =	vst v33  }
0x10e: {  	[tilespmem:s4+$0x40] =	vst v32;
	v18 =	vld.idx.msk [tilespmem:v18+s19+$0x0], $0xffff  }
0x10f: {  	v23 =	vor.u32 v15, v23;
	[tilespmem:s14+$0x60] =	vst v50;
	v17 =	vld.idx.msk [tilespmem:v17+s19+$0x0], $0xffff  }
0x110: {  	[tilespmem:s16+$0x80] =	vst v19;
	v19 =	vld.idx.msk [tilespmem:v25+s19+$0x0], $0xffff  }
0x111: {  	[tilespmem:s1+$0x70] =	vst v21;
	v25 =	vld [tilespmem:s12+$0x10]  }
0x112: {  	[tilespmem:s10+$0xA0] =	vst v26;
	v26 =	vld.idx.msk [tilespmem:v51+s19+$0x0], $0xffff  }
0x113: {  	[tilespmem:s0+$0xFFFFFFE0] =	vst v22;
	v24 =	vshll.u32 v24, $0x8;
	v52 =	vld [tilespmem:s11+$0x30]  }
0x114: {  	v20 =	vshll.u32 v20, $0x8;
	v23 =	vld.idx.msk [tilespmem:v23+s19+$0x0], $0xffff;
	v53 =	vor.u32 v8, v24;
	[tilespmem:s4+$0xC0] =	vst v17  }
0x115: {  	[tilespmem:s10+$0xFFFFFFA0] =	vst v18;
	v17 =	vor.u32 v11, v27;
	v27 =	vor.u32 v12, v20;
	v18 =	vld [tilespmem:s7+$0x50]  }
0x116: {  	[tilespmem:s14+$0xE0] =	vst v19;
	v19 =	vshll.u32 v25, $0x8;
	v55 =	vld [tilespmem:s11+$0xFFFFFFB0]  }
0x117: {  	[tilespmem:s14+$0xFFFFFF50] =	vst v26;
	v26 =	vshll.u32 v54, $0x8;
	v21 =	vld [tilespmem:s15+$0x70];
	v25 =	vor.u32 v2, v19  }
0x118: {  	v59 =	vld [tilespmem:s13+$0xFFFFFFF0];
	v28 =	vshll.u32 v52, $0x8;
	v57 =	vor.u32 v2, v26  }
0x119: {  	v29 =	vld.idx.msk [tilespmem:v53+s19+$0x0], $0xffff;
	v56 =	vor.u32 v6, v28  }
0x11a: {  	[tilespmem:s1+$0xF0] =	vst v23;
	v23 =	vor.u32 v9, v24;
	v22 =	vld.idx.msk [tilespmem:v27+s19+$0x0], $0xffff;
	v18 =	vshll.u32 v18, $0x8  }
0x11b: {  	v17 =	vld.idx.msk [tilespmem:v17+s19+$0x0], $0xffff;
	v27 =	vshll.u32 v55, $0x8;
	v58 =	vor.u32 v10, v18  }
0x11c: {  	v35 =	vshll.u32 v21, $0x8;
	v21 =	vld.idx.msk [tilespmem:v25+s19+$0x0], $0xffff;
	v60 =	vor.u32 v6, v27  }
0x11d: {  	[tilespmem:s0+$0xF0] =	vst v16;
	v24 =	vld.idx.msk [tilespmem:v57+s19+$0x0], $0xffff;
	v25 =	vor.u32 v14, v35  }
0x11e: {  	v16 =	vor.u32 v3, v19;
	[tilespmem:s4+$0xFFFFFF40] =	vst v29;
	v19 =	vld.idx.msk [tilespmem:v56+s19+$0x0], $0xffff  }
0x11f: {  	v26 =	vor.u32 v3, v26;
	[tilespmem:s1+$0xFFFFFF60] =	vst v22;
	v22 =	vld.idx.msk [tilespmem:v23+s19+$0x0], $0xffff  }
0x120: {  	v28 =	vor.u32 v7, v28;
	v61 =	vld.idx.msk [tilespmem:v58+s19+$0x0], $0xffff  }
0x121: {  	v63 =	vor.u32 v11, v18;
	[tilespmem:s14+$0xFFFFFFD0] =	vst v17;
	v62 =	vld.idx.msk [tilespmem:v60+s19+$0x0], $0xffff  }
0x122: {  	[tilespmem:s16+$0x10] =	vst v21;
	v18 =	vld.idx.msk [tilespmem:v25+s19+$0x0], $0xffff  }
0x123: {  	v17 =	vor.u32 v13, v20;
	[tilespmem:s16+$0xFFFFFF10] =	vst v24;
	v20 =	vor.u32 v15, v35;
	v25 =	vld.idx.msk [tilespmem:v16+s19+$0x0], $0xffff  }
0x124: {  	[tilespmem:s10+$0x30] =	vst v19;
	v26 =	vld.idx.msk [tilespmem:v26+s19+$0x0], $0xffff  }
0x125: {  	s30 =	sshll.u32 s29, $0x1;
	v21 =	vor.u32 v7, v27;
	v16 =	vshll.u32 v59, $0x8;
	v24 =	vld.idx.msk [tilespmem:v28+s19+$0x0], $0xffff;
	[tilespmem:s4+$0x50] =	vst v61  }
0x126: {  	s8 =	simm.s32 $0xA;
	s6 =	simm.s32 $0x1B700;
	s13 =	simm.s32 $0x680;
	v19 =	vor.u32 v14, v16;
	v16 =	vor.u32 v15, v16;
	[tilespmem:s10+$0xFFFFFF30] =	vst v62;
	v23 =	vld.idx.msk [tilespmem:v63+s19+$0x0], $0xffff  }
.LBB2_3:
0x127: {  	v27 =	vld [tilespmem:s13+$0x0];
	s8 =	sadd.s32 $0x2, s8;
	[tilespmem:s14+$0x70] =	vst v18  }
0x128: {  	p0 =	slt.u32 s8, $0x30;
	[tilespmem:s16+$0x90] =	vst v25;
	v18 =	vld.idx.msk [tilespmem:v20+s19+$0x0], $0xffff  }
0x129: {  	v20 =	vld [tilespmem:s12+$0x20];
	[tilespmem:s4+$0xFFFFFFC0] =	vst v22  }
0x12a: {  	v22 =	vld [tilespmem:s13+$0xFFFFFF80];
	[tilespmem:s10+$0xB0] =	vst v24  }
0x12b: {  	[tilespmem:s16+$0xFFFFFF90] =	vst v26;
	v24 =	vld [tilespmem:s11+$0x40]  }
0x12c: {  	v25 =	vshll.u32 v27, $0x8;
	v26 =	vld [tilespmem:s12+$0xFFFFFFA0];
	[tilespmem:s4+$0xD0] =	vst v23  }
0x12d: {  	v23 =	vor.u32 v0, v25;
	v27 =	vld [tilespmem:s7+$0x60]  }
0x12e: {  	v20 =	vshll.u32 v20, $0x8;
	v21 =	vld.idx.msk [tilespmem:v21+s19+$0x0], $0xffff;
	[tilespmem:s14+$0xF0] =	vst v18  }
0x12f: {  	v18 =	vshll.u32 v22, $0x8;
	v22 =	vor.u32 v4, v20;
	v28 =	vld [tilespmem:s7+$0xFFFFFFD0]  }
0x130: {  	v29 =	vor.u32 v0, v18;
	v18 =	vor.u32 v1, v18;
	v24 =	vshll.u32 v24, $0x8;
	v30 =	vld [tilespmem:s15+$0xFFFFFFE0]  }
0x131: {  	v26 =	vshll.u32 v26, $0x8;
	v31 =	vor.u32 v8, v24;
	v32 =	vld.idx.msk [tilespmem:v17+s19+$0x0], $0xffff  }
0x132: {  	v23 =	vld.idx.msk [tilespmem:v23+s19+$0x0], $0xffff;
	v33 =	vor.u32 v4, v26;
	v26 =	vor.u32 v5, v26;
	v27 =	vshll.u32 v27, $0x8  }
0x133: {  	v34 =	vor.u32 v12, v27;
	v19 =	vld.idx.msk [tilespmem:v19+s19+$0x0], $0xffff  }
0x134: {  	v25 =	vor.u32 v1, v25;
	v22 =	vld.idx.msk [tilespmem:v22+s19+$0x0], $0xffff;
	[tilespmem:s10+$0xFFFFFFB0] =	vst v21;
	v17 =	vshll.u32 v28, $0x8  }
0x135: {  	v21 =	vld.idx.msk [tilespmem:v29+s19+$0x0], $0xffff;
	v28 =	vor.u32 v10, v17;
	v29 =	vor.u32 v11, v17;
	v17 =	vshll.u32 v30, $0x8  }
0x136: {  	v20 =	vor.u32 v5, v20;
	v30 =	vld.idx.msk [tilespmem:v31+s19+$0x0], $0xffff;
	v31 =	vor.u32 v12, v17;
	v17 =	vor.u32 v13, v17  }
0x137: {  	s16 =	sadd.s32 $0x200, s16;
	v33 =	vld.idx.msk [tilespmem:v33+s19+$0x0], $0xffff;
	[tilespmem:s1+$0xFFFFFFE0] =	vst v32  }
0x138: {  	[tilespmem:s16+$0x0] =	vst v23;
	v23 =	vor.u32 v9, v24;
	v24 =	vld.idx.msk [tilespmem:v34+s19+$0x0], $0xffff  }
0x139: {  	v25 =	vld.idx.msk [tilespmem:v25+s19+$0x0], $0xffff;
	[tilespmem:s0+$0xFFFFFF70] =	vst v19  }
0x13a: {  	[tilespmem:s6+$0x20] =	vst v22;
	v19 =	vld [tilespmem:s11+$0xFFFFFFC0];
	v22 =	vor.u32 v13, v27  }
0x13b: {  	[tilespmem:s16+$0xFFFFFF00] =	vst v21;
	v20 =	vld.idx.msk [tilespmem:v20+s19+$0x0], $0xffff  }
0x13c: {  	v18 =	vld.idx.msk [tilespmem:v18+s19+$0x0], $0xffff;
	[tilespmem:s10+$0x40] =	vst v30  }
0x13d: {  	[tilespmem:s6+$0xFFFFFF20] =	vst v33;
	v21 =	vld.idx.msk [tilespmem:v23+s19+$0x0], $0xffff  }
0x13e: {  	v23 =	vld.idx.msk [tilespmem:v26+s19+$0x0], $0xffff;
	[tilespmem:s4+$0x60] =	vst v24  }
0x13f: {  	[tilespmem:s16+$0x80] =	vst v25;
	v19 =	vshll.u32 v19, $0x8;
	v22 =	vld.idx.msk [tilespmem:v22+s19+$0x0], $0xffff  }
0x140: {  	v24 =	vld [tilespmem:s13+$0x10];
	v25 =	vor.u32 v8, v19;
	v26 =	vor.u32 v9, v19  }
0x141: {  	[tilespmem:s6+$0xA0] =	vst v20;
	v19 =	vld.idx.msk [tilespmem:v28+s19+$0x0], $0xffff  }
0x142: {  	[tilespmem:s16+$0xFFFFFF80] =	vst v18;
	v18 =	vld [tilespmem:s12+$0x30]  }
0x143: {  	v20 =	vld [tilespmem:s13+$0xFFFFFF90];
	[tilespmem:s10+$0xC0] =	vst v21  }
0x144: {  	[tilespmem:s6+$0xFFFFFFA0] =	vst v23;
	v21 =	vld [tilespmem:s11+$0x50]  }
0x145: {  	v23 =	vshll.u32 v24, $0x8;
	v24 =	vld [tilespmem:s12+$0xFFFFFFB0];
	[tilespmem:s4+$0xE0] =	vst v22  }
0x146: {  	v22 =	vor.u32 v2, v23;
	v27 =	vld [tilespmem:s7+$0x70]  }
0x147: {  	v18 =	vshll.u32 v18, $0x8;
	v25 =	vld.idx.msk [tilespmem:v25+s19+$0x0], $0xffff;
	[tilespmem:s4+$0xFFFFFF50] =	vst v19  }
0x148: {  	v19 =	vshll.u32 v20, $0x8;
	v20 =	vor.u32 v6, v18;
	v28 =	vld.idx.msk [tilespmem:v29+s19+$0x0], $0xffff  }
0x149: {  	v29 =	vor.u32 v2, v19;
	v30 =	vor.u32 v3, v19;
	v32 =	vshll.u32 v21, $0x8;
	v19 =	vld.idx.msk [tilespmem:v31+s19+$0x0], $0xffff  }
0x14a: {  	v21 =	vshll.u32 v24, $0x8;
	v24 =	vor.u32 v10, v32;
	v31 =	vld [tilespmem:s31+$0xFFFFFFF0];
	s31 =	smov.u32 s15;
	s15 =	smov.u32 s7;
	s7 =	smov.u32 s11  }
0x14b: {  	s11 =	smov.u32 s12;
	s12 =	smov.u32 s13;
	v22 =	vld.idx.msk [tilespmem:v22+s19+$0x0], $0xffff;
	v33 =	vor.u32 v6, v21;
	v21 =	vor.u32 v7, v21;
	v27 =	vshll.u32 v27, $0x8  }
0x14c: {  	v34 =	vor.u32 v14, v27;
	v35 =	vld.idx.msk [tilespmem:v16+s19+$0x0], $0xffff  }
0x14d: {  	v23 =	vor.u32 v3, v23;
	v20 =	vld.idx.msk [tilespmem:v20+s19+$0x0], $0xffff;
	[tilespmem:s10+$0xFFFFFF40] =	vst v25  }
0x14e: {  	v29 =	vld.idx.msk [tilespmem:v29+s19+$0x0], $0xffff;
	[tilespmem:s4+$0xFFFFFFD0] =	vst v28  }
0x14f: {  	v28 =	vor.u32 v7, v18;
	v36 =	vld.idx.msk [tilespmem:v24+s19+$0x0], $0xffff;
	[tilespmem:s14+$0xFFFFFF60] =	vst v19;
	v16 =	vshll.u32 v31, $0x8  }
0x150: {  	v31 =	vld.idx.msk [tilespmem:v33+s19+$0x0], $0xffff;
	v19 =	vor.u32 v14, v16;
	v16 =	vor.u32 v15, v16  }
0x151: {  	v32 =	vor.u32 v11, v32;
	[tilespmem:s16+$0x10] =	vst v22;
	v18 =	vld.idx.msk [tilespmem:v34+s19+$0x0], $0xffff  }
.Ltmp2:
0x152: {  	v25 =	vld.idx.msk [tilespmem:v23+s19+$0x0], $0xffff;
	[tilespmem:s0+$0xFFFFFFF0] =	vst v35;
	s0 =	smov.u32 s1;
	s1 =	smov.u32 s14;
	(pc) =	sbr.rel @p0 .LBB2_3-.Ltmp2, $4  }
0x153: {  	s14 =	smov.u32 s4;
	s4 =	smov.u32 s10;
	s10 =	smov.u32 s6;
	[tilespmem:s6+$0x30] =	vst v20;
	v22 =	vld.idx.msk [tilespmem:v26+s19+$0x0], $0xffff;
	v20 =	vor.u32 v15, v27  }
0x154: {  	s6 =	smov.u32 s16;
	[tilespmem:s16+$0xFFFFFF10] =	vst v29;
	v24 =	vld.idx.msk [tilespmem:v28+s19+$0x0], $0xffff  }
0x155: {  	v26 =	vld.idx.msk [tilespmem:v30+s19+$0x0], $0xffff;
	[tilespmem:s4+$0x50] =	vst v36  }
0x156: {  	s13 =	sadd.s32 $0x100, s13;
	[tilespmem:s10+$0xFFFFFF30] =	vst v31;
	v23 =	vld.idx.msk [tilespmem:v32+s19+$0x0], $0xffff  }
0x157: {  	_ = 	snop  }
0x158: {  	[tilespmem:s16+$0x90] =	vst v25  }
0x159: {  	v25 =	vld [tilespmem:s12+$0x20]  }
0x15a: {  	[tilespmem:s16+$0xFFFFFF90] =	vst v26  }
0x15b: {  	v26 =	vld [tilespmem:s12+$0xFFFFFFA0];
	_ =	sdelay $0x2  }
0x15c: {  	v25 =	vshll.u32 v25, $0x8  }
0x15d: {  	v27 =	vor.u32 v4, v25  }
0x15e: {  	v26 =	vshll.u32 v26, $0x8  }
0x15f: {  	v28 =	vor.u32 v4, v26;
	_ =	sdelay $0x2  }
0x160: {  	v27 =	vld.idx.msk [tilespmem:v27+s19+$0x0], $0xffff  }
0x161: {  	v25 =	vor.u32 v5, v25  }
0x162: {  	v28 =	vld.idx.msk [tilespmem:v28+s19+$0x0], $0xffff  }
0x163: {  	v26 =	vor.u32 v5, v26;
	_ =	sdelay $0x1  }
0x164: {  	[tilespmem:s6+$0x20] =	vst v27  }
0x165: {  	v25 =	vld.idx.msk [tilespmem:v25+s19+$0x0], $0xffff  }
0x166: {  	[tilespmem:s6+$0xFFFFFF20] =	vst v28  }
0x167: {  	v26 =	vld.idx.msk [tilespmem:v26+s19+$0x0], $0xffff;
	_ =	sdelay $0x2  }
0x168: {  	[tilespmem:s6+$0xA0] =	vst v25  }
0x169: {  	v25 =	vld [tilespmem:s12+$0x30]  }
0x16a: {  	[tilespmem:s6+$0xFFFFFFA0] =	vst v26  }
0x16b: {  	v26 =	vld [tilespmem:s12+$0xFFFFFFB0];
	_ =	sdelay $0x2  }
0x16c: {  	v25 =	vshll.u32 v25, $0x8  }
0x16d: {  	v27 =	vor.u32 v6, v25  }
0x16e: {  	v26 =	vshll.u32 v26, $0x8  }
0x16f: {  	v36 =	vor.u32 v6, v26;
	_ =	sdelay $0x2  }
0x170: {  	v27 =	vld.idx.msk [tilespmem:v27+s19+$0x0], $0xffff  }
0x171: {  	v21 =	vld.idx.msk [tilespmem:v21+s19+$0x0], $0xffff;
	v25 =	vor.u32 v7, v25  }
0x172: {  	v28 =	vld.idx.msk [tilespmem:v36+s19+$0x0], $0xffff  }
0x173: {  	v26 =	vor.u32 v7, v26;
	_ =	sdelay $0x1  }
0x174: {  	[tilespmem:s6+$0x30] =	vst v27  }
0x175: {  	[tilespmem:s10+$0xFFFFFFB0] =	vst v21;
	v25 =	vld.idx.msk [tilespmem:v25+s19+$0x0], $0xffff  }
0x176: {  	v21 =	vld [tilespmem:s11+$0xFFFFFFC0];
	[tilespmem:s6+$0xFFFFFF30] =	vst v28  }
0x177: {  	[tilespmem:s10+$0xB0] =	vst v24;
	v24 =	vld.idx.msk [tilespmem:v26+s19+$0x0], $0xffff  }
0x178: {  	v26 =	vld [tilespmem:s11+$0x40];
	_ =	sdelay $0x1  }
0x179: {  	[tilespmem:s6+$0xB0] =	vst v25  }
0x17a: {  	v21 =	vshll.u32 v21, $0x8;
	v25 =	vld [tilespmem:s12+$0x40]  }
0x17b: {  	v29 =	vor.u32 v8, v21;
	[tilespmem:s6+$0xFFFFFFB0] =	vst v24  }
0x17c: {  	v24 =	vshll.u32 v26, $0x8;
	v26 =	vld [tilespmem:s12+$0xFFFFFFC0]  }
0x17d: {  	v27 =	vor.u32 v8, v24;
	_ =	sdelay $0x1  }
0x17e: {  	v25 =	vshll.u32 v25, $0x8  }
0x17f: {  	v29 =	vld.idx.msk [tilespmem:v29+s19+$0x0], $0xffff;
	v37 =	vor.u32 v8, v25  }
0x180: {  	v21 =	vor.u32 v9, v21;
	v26 =	vshll.u32 v26, $0x8  }
0x181: {  	v27 =	vld.idx.msk [tilespmem:v27+s19+$0x0], $0xffff;
	v30 =	vor.u32 v8, v26  }
0x182: {  	v24 =	vor.u32 v9, v24;
	_ =	sdelay $0x1  }
0x183: {  	[tilespmem:s10+$0xFFFFFF40] =	vst v29;
	v28 =	vld.idx.msk [tilespmem:v37+s19+$0x0], $0xffff  }
0x184: {  	v21 =	vld.idx.msk [tilespmem:v21+s19+$0x0], $0xffff;
	v25 =	vor.u32 v9, v25  }
0x185: {  	[tilespmem:s10+$0x40] =	vst v27;
	v27 =	vld.idx.msk [tilespmem:v30+s19+$0x0], $0xffff  }
0x186: {  	[tilespmem:s4+$0xD0] =	vst v23;
	v23 =	vld.idx.msk [tilespmem:v24+s19+$0x0], $0xffff;
	v24 =	vor.u32 v9, v26  }
0x187: {  	v26 =	vld [tilespmem:s7+$0x60]  }
0x188: {  	[tilespmem:s6+$0x40] =	vst v28  }
0x189: {  	[tilespmem:s10+$0xFFFFFFC0] =	vst v21;
	v25 =	vld.idx.msk [tilespmem:v25+s19+$0x0], $0xffff  }
0x18a: {  	v21 =	vld [tilespmem:s11+$0xFFFFFFD0];
	[tilespmem:s6+$0xFFFFFF40] =	vst v27  }
0x18b: {  	[tilespmem:s10+$0xC0] =	vst v23;
	v23 =	vld.idx.msk [tilespmem:v24+s19+$0x0], $0xffff  }
0x18c: {  	v24 =	vshll.u32 v26, $0x8;
	v26 =	vld [tilespmem:s11+$0x50]  }
0x18d: {  	[tilespmem:s4+$0xFFFFFFC0] =	vst v22;
	v27 =	vor.u32 v12, v24  }
0x18e: {  	[tilespmem:s6+$0xC0] =	vst v25;
	v25 =	vld [tilespmem:s7+$0xFFFFFFD0]  }
0x18f: {  	v21 =	vshll.u32 v21, $0x8;
	v22 =	vld [tilespmem:s12+$0x50]  }
0x190: {  	v32 =	vor.u32 v10, v21;
	[tilespmem:s6+$0xFFFFFFC0] =	vst v23  }
0x191: {  	v23 =	vshll.u32 v26, $0x8;
	v26 =	vld [tilespmem:s12+$0xFFFFFFD0]  }
0x192: {  	v27 =	vld.idx.msk [tilespmem:v27+s19+$0x0], $0xffff;
	v38 =	vor.u32 v10, v23  }
0x193: {  	v24 =	vor.u32 v13, v24;
	v25 =	vshll.u32 v25, $0x8  }
0x194: {  	v22 =	vshll.u32 v22, $0x8;
	v40 =	vor.u32 v10, v25  }
0x195: {  	v32 =	vld.idx.msk [tilespmem:v32+s19+$0x0], $0xffff;
	v39 =	vor.u32 v10, v22  }
0x196: {  	v31 =	vld [tilespmem:s15+$0xFFFFFFE0];
	v21 =	vor.u32 v11, v21;
	v26 =	vshll.u32 v26, $0x8  }
0x197: {  	[tilespmem:s4+$0x60] =	vst v27;
	v27 =	vld.idx.msk [tilespmem:v38+s19+$0x0], $0xffff;
	v41 =	vor.u32 v10, v26  }
0x198: {  	v23 =	vor.u32 v11, v23;
	v24 =	vld.idx.msk [tilespmem:v24+s19+$0x0], $0xffff  }
0x199: {  	v30 =	vld.idx.msk [tilespmem:v40+s19+$0x0], $0xffff  }
0x19a: {  	[tilespmem:s10+$0xFFFFFF50] =	vst v32;
	v25 =	vor.u32 v11, v25;
	v29 =	vld.idx.msk [tilespmem:v39+s19+$0x0], $0xffff  }
0x19b: {  	v21 =	vld.idx.msk [tilespmem:v21+s19+$0x0], $0xffff;
	v22 =	vor.u32 v11, v22  }
0x19c: {  	[tilespmem:s10+$0x50] =	vst v27;
	v27 =	vld.idx.msk [tilespmem:v41+s19+$0x0], $0xffff  }
0x19d: {  	[tilespmem:s4+$0xE0] =	vst v24;
	v23 =	vld.idx.msk [tilespmem:v23+s19+$0x0], $0xffff;
	v24 =	vor.u32 v11, v26  }
0x19e: {  	v26 =	vld [tilespmem:s7+$0x70];
	[tilespmem:s4+$0xFFFFFF50] =	vst v30  }
0x19f: {  	[tilespmem:s6+$0x50] =	vst v29;
	v25 =	vld.idx.msk [tilespmem:v25+s19+$0x0], $0xffff  }
0x1a0: {  	v22 =	vld.idx.msk [tilespmem:v22+s19+$0x0], $0xffff  }
0x1a1: {  	v17 =	vld.idx.msk [tilespmem:v17+s19+$0x0], $0xffff;
	[tilespmem:s6+$0xFFFFFF50] =	vst v27  }
0x1a2: {  	[tilespmem:s10+$0xD0] =	vst v23;
	v23 =	vld.idx.msk [tilespmem:v24+s19+$0x0], $0xffff  }
0x1a3: {  	[tilespmem:s10+$0xFFFFFFD0] =	vst v21;
	v24 =	vshll.u32 v31, $0x8;
	v27 =	vld [tilespmem:s11+$0x60]  }
0x1a4: {  	v21 =	vshll.u32 v26, $0x8;
	v26 =	vld [tilespmem:s11+$0xFFFFFFE0];
	v42 =	vor.u32 v12, v24;
	[tilespmem:s4+$0xFFFFFFD0] =	vst v25  }
0x1a5: {  	[tilespmem:s6+$0xD0] =	vst v22;
	v25 =	vld [tilespmem:s7+$0xFFFFFFE0]  }
0x1a6: {  	v22 =	vld [tilespmem:s12+$0x60]  }
0x1a7: {  	[tilespmem:s6+$0xFFFFFFD0] =	vst v23  }
0x1a8: {  	v27 =	vshll.u32 v27, $0x8;
	v43 =	vld [tilespmem:s12+$0xFFFFFFE0]  }
0x1a9: {  	[tilespmem:s1+$0xFFFFFFE0] =	vst v17;
	v26 =	vshll.u32 v26, $0x8;
	v17 =	vld.idx.msk [tilespmem:v42+s19+$0x0], $0xffff;
	v44 =	vor.u32 v12, v27  }
0x1aa: {  	v33 =	vor.u32 v12, v26;
	v25 =	vshll.u32 v25, $0x8  }
0x1ab: {  	v22 =	vshll.u32 v22, $0x8;
	v47 =	vor.u32 v12, v25  }
0x1ac: {  	v19 =	vld.idx.msk [tilespmem:v19+s19+$0x0], $0xffff;
	[tilespmem:s14+$0x70] =	vst v18;
	v46 =	vor.u32 v12, v22  }
0x1ad: {  	v20 =	vld.idx.msk [tilespmem:v20+s19+$0x0], $0xffff;
	v24 =	vor.u32 v13, v24;
	v29 =	vshll.u32 v43, $0x8  }
0x1ae: {  	[tilespmem:s14+$0xFFFFFF60] =	vst v17;
	v17 =	vld.idx.msk [tilespmem:v44+s19+$0x0], $0xffff;
	v48 =	vor.u32 v12, v29  }
0x1af: {  	v27 =	vor.u32 v13, v27;
	v33 =	vld.idx.msk [tilespmem:v33+s19+$0x0], $0xffff  }
0x1b0: {  	v32 =	vld.idx.msk [tilespmem:v47+s19+$0x0], $0xffff  }
0x1b1: {  	v25 =	vor.u32 v13, v25;
	v31 =	vld.idx.msk [tilespmem:v46+s19+$0x0], $0xffff  }
0x1b2: {  	v22 =	vor.u32 v13, v22;
	v24 =	vld.idx.msk [tilespmem:v24+s19+$0x0], $0xffff  }
0x1b3: {  	[tilespmem:s10+$0x60] =	vst v17;
	v17 =	vor.u32 v13, v26;
	v26 =	vld.idx.msk [tilespmem:v48+s19+$0x0], $0xffff  }
0x1b4: {  	[tilespmem:s10+$0xFFFFFF60] =	vst v33;
	v27 =	vld.idx.msk [tilespmem:v27+s19+$0x0], $0xffff  }
0x1b5: {  	v45 =	vld [tilespmem:s31+$0xFFFFFFF0];
	v49 =	vor.u32 v13, v29;
	[tilespmem:s4+$0xFFFFFF60] =	vst v32  }
0x1b6: {  	[tilespmem:s6+$0x60] =	vst v31;
	v25 =	vld.idx.msk [tilespmem:v25+s19+$0x0], $0xffff  }
0x1b7: {  	v23 =	vor.u32 v14, v21;
	[tilespmem:s14+$0xFFFFFFE0] =	vst v24;
	v22 =	vld.idx.msk [tilespmem:v22+s19+$0x0], $0xffff  }
0x1b8: {  	v17 =	vld.idx.msk [tilespmem:v17+s19+$0x0], $0xffff;
	[tilespmem:s6+$0xFFFFFF60] =	vst v26  }
0x1b9: {  	[tilespmem:s10+$0xE0] =	vst v27;
	v27 =	vld [tilespmem:s15+$0xFFFFFFF0]  }
0x1ba: {  	v26 =	vld.idx.msk [tilespmem:v49+s19+$0x0], $0xffff  }
0x1bb: {  	v30 =	vshll.u32 v45, $0x8;
	v24 =	vld [tilespmem:s11+$0x70]  }
0x1bc: {  	v34 =	vor.u32 v14, v30;
	v23 =	vld.idx.msk [tilespmem:v23+s19+$0x0], $0xffff;
	[tilespmem:s4+$0xFFFFFFE0] =	vst v25  }
0x1bd: {  	[tilespmem:s6+$0xE0] =	vst v22;
	v25 =	vld [tilespmem:s7+$0xFFFFFFF0]  }
0x1be: {  	v22 =	vld [tilespmem:s12+$0x70];
	[tilespmem:s10+$0xFFFFFFE0] =	vst v17;
	v17 =	vor.u32 v15, v21  }
0x1bf: {  	v21 =	vld [tilespmem:s11+$0xFFFFFFF0];
	v27 =	vshll.u32 v27, $0x8;
	[tilespmem:s6+$0xFFFFFFE0] =	vst v26  }
0x1c0: {  	[tilespmem:s0+$0xFFFFFF70] =	vst v19;
	v24 =	vshll.u32 v24, $0x8;
	v19 =	vor.u32 v14, v27;
	v51 =	vld [tilespmem:s12+$0xFFFFFFF0]  }
0x1c1: {  	v50 =	vld.idx.msk [tilespmem:v34+s19+$0x0], $0xffff;
	v18 =	vor.u32 v14, v24  }
0x1c2: {  	v16 =	vld.idx.msk [tilespmem:v16+s19+$0x0], $0xffff;
	[tilespmem:s4+$0x70] =	vst v23;
	v26 =	vor.u32 v15, v30;
	v25 =	vshll.u32 v25, $0x8  }
0x1c3: {  	v22 =	vshll.u32 v22, $0x8;
	v17 =	vld.idx.msk [tilespmem:v17+s19+$0x0], $0xffff;
	v52 =	vor.u32 v14, v25  }
0x1c4: {  	v23 =	vor.u32 v14, v22;
	v21 =	vshll.u32 v21, $0x8  }
0x1c5: {  	[tilespmem:s14+$0xF0] =	vst v20;
	v53 =	vor.u32 v14, v21;
	v19 =	vld.idx.msk [tilespmem:v19+s19+$0x0], $0xffff;
	v28 =	vshll.u32 v51, $0x8  }
0x1c6: {  	[tilespmem:s1+$0xFFFFFF70] =	vst v50;
	v18 =	vld.idx.msk [tilespmem:v18+s19+$0x0], $0xffff;
	v54 =	vor.u32 v14, v28  }
0x1c7: {  	[tilespmem:s0+$0xFFFFFFF0] =	vst v16;
	v16 =	vor.u32 v15, v27;
	v26 =	vld.idx.msk [tilespmem:v26+s19+$0x0], $0xffff  }
0x1c8: {  	v20 =	vor.u32 v15, v24;
	[tilespmem:s4+$0xF0] =	vst v17;
	v17 =	vor.u32 v15, v22;
	v22 =	vld.idx.msk [tilespmem:v52+s19+$0x0], $0xffff  }
0x1c9: {  	v24 =	vor.u32 v15, v25;
	v23 =	vld.idx.msk [tilespmem:v23+s19+$0x0], $0xffff  }
0x1ca: {  	v25 =	vld.idx.msk [tilespmem:v53+s19+$0x0], $0xffff;
	[tilespmem:s14+$0xFFFFFF70] =	vst v19  }
0x1cb: {  	[tilespmem:s10+$0x70] =	vst v18;
	v18 =	vor.u32 v15, v21;
	v21 =	vld.idx.msk [tilespmem:v54+s19+$0x0], $0xffff  }
0x1cc: {  	[tilespmem:s1+$0xFFFFFFF0] =	vst v26;
	v19 =	vor.u32 v15, v28;
	v16 =	vld.idx.msk [tilespmem:v16+s19+$0x0], $0xffff  }
0x1cd: {  	v20 =	vld.idx.msk [tilespmem:v20+s19+$0x0], $0xffff;
	[tilespmem:s4+$0xFFFFFF70] =	vst v22  }
0x1ce: {  	[tilespmem:s6+$0x70] =	vst v23;
	v22 =	vld.idx.msk [tilespmem:v24+s19+$0x0], $0xffff  }
0x1cf: {  	v17 =	vld.idx.msk [tilespmem:v17+s19+$0x0], $0xffff;
	[tilespmem:s10+$0xFFFFFF70] =	vst v25  }
0x1d0: {  	v18 =	vld.idx.msk [tilespmem:v18+s19+$0x0], $0xffff;
	[tilespmem:s6+$0xFFFFFF70] =	vst v21  }
0x1d1: {  	s16 =	sshll.u32 s29, $0xE;
	s15 =	sshll.u32 s29, $0x9;
	[tilespmem:s14+$0xFFFFFFF0] =	vst v16;
	v19 =	vld.idx.msk [tilespmem:v19+s19+$0x0], $0xffff  }
0x1d2: {  	s31 =	sand.u32 $0x38000, s16;
	s0 =	sand.u32 $0x200, s15;
	[tilespmem:s10+$0xF0] =	vst v20  }
0x1d3: {  	s1 =	sor.u32 s0, s31;
	[tilespmem:s4+$0xFFFFFFF0] =	vst v22  }
0x1d4: {  	s1 =	sor.u32 s5, s1;
	[tilespmem:s6+$0xF0] =	vst v17  }
0x1d5: {  	s1 =	sshrl.u32 s1, $0x3;
	[tilespmem:s10+$0xFFFFFFF0] =	vst v18  }
0x1d6: {  	p0 =	seq.s32 s29, $0xF;
	s1 =	sadd.s32 s3, s1;
	[tilespmem:s6+$0xFFFFFFF0] =	vst v19  }
0x1d7: {  	[hbm4b:s1+s17] =	stream.strided.scatter [tilespmem:s24], [sflag:$0x4], $0x3200, s18, s17, $0x38;
	[tilespmem:$0x1DE00] =	vst v63  }
0x1d8: {  	s1 =	sadd.s32 @!p0 $0x2, s30  }
0x1d9: {  	s4 =	sshll.u32 @!p0 s1, $0xD;
	s1 =	sshll.u32 @!p0 s1, $0x8  }
0x1da: {  	s4 =	sand.u32 @!p0 $0x78000, s4;
	s1 =	sand.u32 @!p0 $0x200, s1  }
0x1db: {  	s1 =	sor.u32 @!p0 s4, s1  }
0x1dc: {  	s1 =	sor.u32 @!p0 s5, s1  }
0x1dd: {  	s8 =	simm.s32 @!p0 $0x1C00;
	s1 =	sshrl.u32 @!p0 s1, $0x3  }
0x1de: {  	s7 =	simm.s32 @!p0 $0x40000;
	s6 =	simm.s32 @!p0 $0x100;
	s4 =	sadd.s32 @!p0 s2, s1  }
0x1df: {  	[tilespmem:s8], [sflag:$0x1] =	stream.strided.gather @!p0 [hbm4b:s4+s6], $0x6400, s7, s6, $0x38;
	[tilespmem:$0x1DE00] =	vst v63  }
0x1e0: {  	s1 =	sadd.s32 @!p0 s1, s9;
	s4 =	simm.s32 @!p0 $0x8000  }
0x1e1: {  	[tilespmem:s4], [sflag:$0x1] =	stream.strided.gather @!p0 [hbm4b:s1+s6], $0x6400, s7, s6, $0x38;
	[tilespmem:$0x1DE00] =	vst v63  }
0x1e2: {  	_ =	swait.ge [sflag:s25], $0xC800  }
0x1e3: {  	[sflag:s25] =	ssyncset.done $0x0  }
0x1e4: {  	[sflag:s25] =	ssyncadd.s32 $0xFFFF3800  }
0x1e5: {  	_ =	swait.ge [sflag:s26], $0x3200  }
0x1e6: {  	[sflag:s26] =	ssyncset.done $0x0  }
0x1e7: {  	s22 =	simm.s32 $0x80;
	[sflag:s26] =	ssyncadd.s32 $0xFFFFCE00  }
0x1e8: {  	v16 =	vld [tilespmem:s22+$0x0];
	_ =	sdelay $0x4  }
0x1e9: {  	v16 =	vshll.u32 v16, $0x8  }
0x1ea: {  	v17 =	vor.u32 v0, v16;
	_ =	sdelay $0x4  }
0x1eb: {  	v17 =	vld.idx.msk [tilespmem:v17+s20+$0x0], $0xffff  }
0x1ec: {  	v16 =	vor.u32 v1, v16;
	_ =	sdelay $0x2  }
0x1ed: {  	s1 =	simm.s32 $0x1AD00  }
0x1ee: {  	[tilespmem:s1+$0x0] =	vst v17;
	v17 =	vld [tilespmem:s22+$0xFFFFFF80]  }
0x1ef: {  	v16 =	vld.idx.msk [tilespmem:v16+s20+$0x0], $0xffff;
	_ =	sdelay $0x3  }
0x1f0: {  	v17 =	vshll.u32 v17, $0x8  }
0x1f1: {  	[tilespmem:s1+$0x80] =	vst v16;
	v18 =	vor.u32 v0, v17  }
0x1f2: {  	v16 =	vld [tilespmem:s22+$0x10];
	_ =	sdelay $0x3  }
0x1f3: {  	v18 =	vld.idx.msk [tilespmem:v18+s20+$0x0], $0xffff  }
0x1f4: {  	v17 =	vor.u32 v1, v17;
	v16 =	vshll.u32 v16, $0x8  }
0x1f5: {  	v19 =	vor.u32 v2, v16;
	_ =	sdelay $0x1  }
0x1f6: {  	s15 =	simm.s32 $0x180  }
0x1f7: {  	[tilespmem:s1+$0xFFFFFF00] =	vst v18;
	v18 =	vld [tilespmem:s15+$0x0]  }
0x1f8: {  	v17 =	vld.idx.msk [tilespmem:v17+s20+$0x0], $0xffff  }
0x1f9: {  	v19 =	vld.idx.msk [tilespmem:v19+s20+$0x0], $0xffff  }
0x1fa: {  	v16 =	vor.u32 v3, v16;
	_ =	sdelay $0x1  }
0x1fb: {  	v18 =	vshll.u32 v18, $0x8  }
0x1fc: {  	[tilespmem:s1+$0xFFFFFF80] =	vst v17;
	v21 =	vor.u32 v0, v18  }
0x1fd: {  	[tilespmem:s1+$0x10] =	vst v19;
	v17 =	vld [tilespmem:s22+$0xFFFFFF90]  }
0x1fe: {  	v16 =	vld.idx.msk [tilespmem:v16+s20+$0x0], $0xffff;
	_ =	sdelay $0x1  }
0x1ff: {  	v19 =	vld [tilespmem:s15+$0xFFFFFF80]  }
0x200: {  	v21 =	vld.idx.msk [tilespmem:v21+s20+$0x0], $0xffff  }
0x201: {  	v18 =	vor.u32 v1, v18;
	v17 =	vshll.u32 v17, $0x8  }
0x202: {  	[tilespmem:s1+$0x90] =	vst v16;
	v20 =	vor.u32 v2, v17  }
0x203: {  	v16 =	vld [tilespmem:s22+$0x20]  }
0x204: {  	s14 =	simm.s32 $0x1AF00;
	v19 =	vshll.u32 v19, $0x8  }
0x205: {  	v23 =	vor.u32 v0, v19;
	[tilespmem:s14+$0x0] =	vst v21  }
0x206: {  	v18 =	vld.idx.msk [tilespmem:v18+s20+$0x0], $0xffff  }
0x207: {  	v20 =	vld.idx.msk [tilespmem:v20+s20+$0x0], $0xffff  }
0x208: {  	v17 =	vor.u32 v3, v17;
	v16 =	vshll.u32 v16, $0x8  }
0x209: {  	v22 =	vor.u32 v4, v16  }
0x20a: {  	v23 =	vld.idx.msk [tilespmem:v23+s20+$0x0], $0xffff  }
0x20b: {  	v19 =	vor.u32 v1, v19;
	[tilespmem:s14+$0x80] =	vst v18  }
0x20c: {  	[tilespmem:s1+$0xFFFFFF10] =	vst v20;
	v18 =	vld [tilespmem:s15+$0x10]  }
0x20d: {  	v17 =	vld.idx.msk [tilespmem:v17+s20+$0x0], $0xffff  }
0x20e: {  	v22 =	vld.idx.msk [tilespmem:v22+s20+$0x0], $0xffff  }
0x20f: {  	v16 =	vor.u32 v5, v16;
	[tilespmem:s14+$0xFFFFFF00] =	vst v23  }
0x210: {  	v19 =	vld.idx.msk [tilespmem:v19+s20+$0x0], $0xffff  }
0x211: {  	v18 =	vshll.u32 v18, $0x8  }
0x212: {  	[tilespmem:s1+$0xFFFFFF90] =	vst v17;
	v21 =	vor.u32 v2, v18  }
0x213: {  	[tilespmem:s1+$0x20] =	vst v22;
	v17 =	vld [tilespmem:s22+$0xFFFFFFA0]  }
0x214: {  	v16 =	vld.idx.msk [tilespmem:v16+s20+$0x0], $0xffff  }
0x215: {  	[tilespmem:s14+$0xFFFFFF80] =	vst v19  }
0x216: {  	v19 =	vld [tilespmem:s15+$0xFFFFFF90]  }
0x217: {  	v21 =	vld.idx.msk [tilespmem:v21+s20+$0x0], $0xffff  }
0x218: {  	v18 =	vor.u32 v3, v18;
	v17 =	vshll.u32 v17, $0x8  }
0x219: {  	[tilespmem:s1+$0xA0] =	vst v16;
	v20 =	vor.u32 v4, v17  }
0x21a: {  	v16 =	vld [tilespmem:s22+$0x30]  }
0x21b: {  	s4 =	simm.s32 $0x280;
	v19 =	vshll.u32 v19, $0x8  }
0x21c: {  	v23 =	vor.u32 v2, v19;
	[tilespmem:s14+$0x10] =	vst v21;
	v21 =	vld [tilespmem:s4+$0xFFFFFF80]  }
0x21d: {  	v18 =	vld.idx.msk [tilespmem:v18+s20+$0x0], $0xffff  }
0x21e: {  	v20 =	vld.idx.msk [tilespmem:v20+s20+$0x0], $0xffff  }
0x21f: {  	v17 =	vor.u32 v5, v17;
	v16 =	vshll.u32 v16, $0x8  }
0x220: {  	v22 =	vor.u32 v6, v16  }
0x221: {  	v23 =	vld.idx.msk [tilespmem:v23+s20+$0x0], $0xffff  }
0x222: {  	v19 =	vor.u32 v3, v19;
	v21 =	vshll.u32 v21, $0x8;
	[tilespmem:s14+$0x90] =	vst v18  }
0x223: {  	v25 =	vor.u32 v0, v21;
	[tilespmem:s1+$0xFFFFFF20] =	vst v20;
	v18 =	vld [tilespmem:s15+$0x20]  }
0x224: {  	v17 =	vld.idx.msk [tilespmem:v17+s20+$0x0], $0xffff  }
0x225: {  	v22 =	vld.idx.msk [tilespmem:v22+s20+$0x0], $0xffff  }
0x226: {  	v16 =	vor.u32 v7, v16;
	[tilespmem:s14+$0xFFFFFF10] =	vst v23  }
0x227: {  	v19 =	vld.idx.msk [tilespmem:v19+s20+$0x0], $0xffff  }
0x228: {  	v25 =	vld.idx.msk [tilespmem:v25+s20+$0x0], $0xffff  }
0x229: {  	v21 =	vor.u32 v1, v21;
	[tilespmem:s1+$0xFFFFFFA0] =	vst v17  }
0x22a: {  	v18 =	vshll.u32 v18, $0x8;
	v17 =	vld [tilespmem:s4+$0x0];
	[tilespmem:s1+$0x30] =	vst v22  }
0x22b: {  	v24 =	vor.u32 v4, v18;
	v16 =	vld.idx.msk [tilespmem:v16+s20+$0x0], $0xffff  }
0x22c: {  	s16 =	simm.s32 $0x1B100;
	[tilespmem:s14+$0xFFFFFF90] =	vst v19;
	v20 =	vld [tilespmem:s22+$0xFFFFFFB0]  }
0x22d: {  	v19 =	vld [tilespmem:s15+$0xFFFFFFA0];
	[tilespmem:s16+$0xFFFFFF00] =	vst v25  }
0x22e: {  	v21 =	vld.idx.msk [tilespmem:v21+s20+$0x0], $0xffff  }
0x22f: {  	v17 =	vshll.u32 v17, $0x8  }
0x230: {  	v24 =	vld.idx.msk [tilespmem:v24+s20+$0x0], $0xffff;
	v22 =	vor.u32 v0, v17;
	[tilespmem:s1+$0xB0] =	vst v16  }
0x231: {  	v16 =	vld [tilespmem:s22+$0x40]  }
0x232: {  	v18 =	vor.u32 v5, v18;
	v20 =	vshll.u32 v20, $0x8  }
0x233: {  	v19 =	vshll.u32 v19, $0x8;
	v23 =	vor.u32 v6, v20;
	[tilespmem:s16+$0xFFFFFF80] =	vst v21  }
0x234: {  	v27 =	vor.u32 v4, v19;
	v21 =	vld [tilespmem:s4+$0xFFFFFF90]  }
0x235: {  	v22 =	vld.idx.msk [tilespmem:v22+s20+$0x0], $0xffff  }
0x236: {  	v17 =	vor.u32 v1, v17;
	[tilespmem:s14+$0x20] =	vst v24;
	v16 =	vshll.u32 v16, $0x8  }
0x237: {  	v18 =	vld.idx.msk [tilespmem:v18+s20+$0x0], $0xffff;
	v26 =	vor.u32 v8, v16  }
0x238: {  	v23 =	vld.idx.msk [tilespmem:v23+s20+$0x0], $0xffff  }
0x239: {  	v20 =	vor.u32 v7, v20;
	v27 =	vld.idx.msk [tilespmem:v27+s20+$0x0], $0xffff  }
0x23a: {  	v19 =	vor.u32 v5, v19;
	v21 =	vshll.u32 v21, $0x8;
	[tilespmem:s16+$0x0] =	vst v22  }
0x23b: {  	v25 =	vor.u32 v2, v21;
	v17 =	vld.idx.msk [tilespmem:v17+s20+$0x0], $0xffff  }
0x23c: {  	[tilespmem:s14+$0xA0] =	vst v18;
	v26 =	vld.idx.msk [tilespmem:v26+s20+$0x0], $0xffff  }
0x23d: {  	v16 =	vor.u32 v9, v16;
	[tilespmem:s1+$0xFFFFFF30] =	vst v23;
	v18 =	vld [tilespmem:s15+$0x30]  }
0x23e: {  	[tilespmem:s14+$0xFFFFFF20] =	vst v27;
	v20 =	vld.idx.msk [tilespmem:v20+s20+$0x0], $0xffff  }
0x23f: {  	v19 =	vld.idx.msk [tilespmem:v19+s20+$0x0], $0xffff  }
0x240: {  	v25 =	vld.idx.msk [tilespmem:v25+s20+$0x0], $0xffff;
	[tilespmem:s16+$0x80] =	vst v17  }
0x241: {  	v17 =	vld [tilespmem:s4+$0x10];
	[tilespmem:s1+$0x40] =	vst v26  }
0x242: {  	v21 =	vor.u32 v3, v21;
	v16 =	vld.idx.msk [tilespmem:v16+s20+$0x0], $0xffff  }
0x243: {  	v18 =	vshll.u32 v18, $0x8  }
0x244: {  	[tilespmem:s1+$0xFFFFFFB0] =	vst v20;
	v24 =	vor.u32 v6, v18  }
0x245: {  	[tilespmem:s14+$0xFFFFFFA0] =	vst v19;
	v20 =	vld [tilespmem:s22+$0xFFFFFFC0]  }
0x246: {  	v19 =	vld [tilespmem:s15+$0xFFFFFFB0];
	[tilespmem:s16+$0xFFFFFF10] =	vst v25;
	v17 =	vshll.u32 v17, $0x8  }
0x247: {  	v21 =	vld.idx.msk [tilespmem:v21+s20+$0x0], $0xffff;
	v22 =	vor.u32 v2, v17;
	[tilespmem:s1+$0xC0] =	vst v16  }
0x248: {  	v16 =	vld [tilespmem:s22+$0x50]  }
0x249: {  	v24 =	vld.idx.msk [tilespmem:v24+s20+$0x0], $0xffff  }
0x24a: {  	v18 =	vor.u32 v7, v18;
	v20 =	vshll.u32 v20, $0x8  }
0x24b: {  	v19 =	vshll.u32 v19, $0x8;
	v23 =	vor.u32 v8, v20  }
0x24c: {  	v27 =	vor.u32 v6, v19;
	v22 =	vld.idx.msk [tilespmem:v22+s20+$0x0], $0xffff  }
0x24d: {  	v17 =	vor.u32 v3, v17;
	[tilespmem:s16+$0xFFFFFF90] =	vst v21;
	v16 =	vshll.u32 v16, $0x8  }
0x24e: {  	[tilespmem:s14+$0x30] =	vst v24;
	v21 =	vld [tilespmem:s4+$0xFFFFFFA0];
	v26 =	vor.u32 v10, v16  }
0x24f: {  	v18 =	vld.idx.msk [tilespmem:v18+s20+$0x0], $0xffff  }
0x250: {  	v23 =	vld.idx.msk [tilespmem:v23+s20+$0x0], $0xffff  }
0x251: {  	v27 =	vld.idx.msk [tilespmem:v27+s20+$0x0], $0xffff;
	[tilespmem:s16+$0x10] =	vst v22  }
0x252: {  	v20 =	vor.u32 v9, v20;
	v17 =	vld.idx.msk [tilespmem:v17+s20+$0x0], $0xffff  }
0x253: {  	s10 =	simm.s32 $0x380;
	v26 =	vld.idx.msk [tilespmem:v26+s20+$0x0], $0xffff  }
0x254: {  	v16 =	vor.u32 v11, v16;
	v22 =	vld [tilespmem:s10+$0x0];
	[tilespmem:s14+$0xB0] =	vst v18  }
0x255: {  	[tilespmem:s1+$0xFFFFFF40] =	vst v23;
	v23 =	vld [tilespmem:s10+$0xFFFFFF80]  }
0x256: {  	v18 =	vld [tilespmem:s15+$0x40]  }
0x257: {  	v20 =	vld.idx.msk [tilespmem:v20+s20+$0x0], $0xffff;
	[tilespmem:s16+$0x90] =	vst v17  }
0x258: {  	v17 =	vld [tilespmem:s4+$0x20];
	[tilespmem:s1+$0x50] =	vst v26  }
0x259: {  	v19 =	vor.u32 v7, v19;
	v16 =	vld.idx.msk [tilespmem:v16+s20+$0x0], $0xffff;
	_ =	sdelay $0x1  }
0x25a: {  	v18 =	vshll.u32 v18, $0x8  }
0x25b: {  	v23 =	vshll.u32 v23, $0x8;
	[tilespmem:s1+$0xFFFFFFC0] =	vst v20;
	v20 =	vshll.u32 v21, $0x8;
	v21 =	vor.u32 v8, v18  }
0x25c: {  	[tilespmem:s14+$0xFFFFFF30] =	vst v27;
	v26 =	vor.u32 v0, v23;
	v17 =	vshll.u32 v17, $0x8  }
0x25d: {  	v19 =	vld.idx.msk [tilespmem:v19+s20+$0x0], $0xffff;
	v25 =	vor.u32 v4, v17;
	[tilespmem:s1+$0xD0] =	vst v16;
	v16 =	vshll.u32 v22, $0x8  }
0x25e: {  	v27 =	vld [tilespmem:s22+$0xFFFFFFD0];
	v24 =	vor.u32 v0, v16  }
0x25f: {  	v22 =	vld [tilespmem:s22+$0x60]  }
0x260: {  	v55 =	vor.u32 v4, v20;
	v21 =	vld.idx.msk [tilespmem:v21+s20+$0x0], $0xffff  }
0x261: {  	v18 =	vor.u32 v9, v18;
	v26 =	vld.idx.msk [tilespmem:v26+s20+$0x0], $0xffff  }
0x262: {  	v23 =	vor.u32 v1, v23;
	v25 =	vld.idx.msk [tilespmem:v25+s20+$0x0], $0xffff  }
0x263: {  	[tilespmem:s14+$0xFFFFFFB0] =	vst v19;
	v17 =	vor.u32 v5, v17;
	v24 =	vld.idx.msk [tilespmem:v24+s20+$0x0], $0xffff  }
0x264: {  	v19 =	vld [tilespmem:s15+$0xFFFFFFC0];
	v16 =	vor.u32 v1, v16;
	v22 =	vshll.u32 v22, $0x8  }
0x265: {  	s7 =	simm.s32 $0x1B300;
	v28 =	vld.idx.msk [tilespmem:v55+s20+$0x0], $0xffff;
	[tilespmem:s14+$0x40] =	vst v21;
	v56 =	vor.u32 v12, v22  }
0x266: {  	v20 =	vor.u32 v5, v20;
	[tilespmem:s7+$0xFFFFFF00] =	vst v26;
	v18 =	vld.idx.msk [tilespmem:v18+s20+$0x0], $0xffff  }
0x267: {  	v23 =	vld.idx.msk [tilespmem:v23+s20+$0x0], $0xffff;
	[tilespmem:s16+$0x20] =	vst v25  }
0x268: {  	v17 =	vld.idx.msk [tilespmem:v17+s20+$0x0], $0xffff;
	[tilespmem:s7+$0x0] =	vst v24  }
0x269: {  	v16 =	vld.idx.msk [tilespmem:v16+s20+$0x0], $0xffff  }
0x26a: {  	[tilespmem:s16+$0xFFFFFF20] =	vst v28;
	v24 =	vld.idx.msk [tilespmem:v56+s20+$0x0], $0xffff  }
0x26b: {  	v20 =	vld.idx.msk [tilespmem:v20+s20+$0x0], $0xffff;
	v22 =	vor.u32 v13, v22;
	[tilespmem:s14+$0xC0] =	vst v18  }
0x26c: {  	v18 =	vshll.u32 v19, $0x8;
	[tilespmem:s7+$0xFFFFFF80] =	vst v23;
	v19 =	vld [tilespmem:s15+$0x50]  }
0x26d: {  	v23 =	vld [tilespmem:s10+$0xFFFFFF90];
	[tilespmem:s16+$0xA0] =	vst v17  }
0x26e: {  	v17 =	vld [tilespmem:s4+$0x30];
	[tilespmem:s7+$0x80] =	vst v16  }
0x26f: {  	[tilespmem:s1+$0x60] =	vst v24;
	v21 =	vld [tilespmem:s10+$0x10]  }
0x270: {  	v16 =	vshll.u32 v27, $0x8;
	v22 =	vld.idx.msk [tilespmem:v22+s20+$0x0], $0xffff  }
0x271: {  	v24 =	vor.u32 v10, v16  }
0x272: {  	[tilespmem:s16+$0xFFFFFFA0] =	vst v20;
	v20 =	vor.u32 v8, v18  }
0x273: {  	v19 =	vshll.u32 v19, $0x8  }
0x274: {  	v58 =	vor.u32 v10, v19;
	v17 =	vshll.u32 v17, $0x8  }
0x275: {  	v21 =	vshll.u32 v21, $0x8;
	[tilespmem:s1+$0xE0] =	vst v22;
	v22 =	vshll.u32 v23, $0x8;
	v23 =	vor.u32 v6, v17  }
0x276: {  	v24 =	vld.idx.msk [tilespmem:v24+s20+$0x0], $0xffff;
	v26 =	vor.u32 v2, v21  }
0x277: {  	v20 =	vld.idx.msk [tilespmem:v20+s20+$0x0], $0xffff;
	v57 =	vor.u32 v2, v22  }
0x278: {  	v18 =	vor.u32 v9, v18;
	v25 =	vld [tilespmem:s4+$0xFFFFFFB0]  }
0x279: {  	v29 =	vld.idx.msk [tilespmem:v58+s20+$0x0], $0xffff  }
0x27a: {  	v19 =	vor.u32 v11, v19;
	v23 =	vld.idx.msk [tilespmem:v23+s20+$0x0], $0xffff  }
0x27b: {  	v17 =	vor.u32 v7, v17;
	[tilespmem:s1+$0xFFFFFF50] =	vst v24;
	v24 =	vld.idx.msk [tilespmem:v26+s20+$0x0], $0xffff  }
0x27c: {  	[tilespmem:s14+$0xFFFFFF40] =	vst v20;
	v21 =	vor.u32 v3, v21;
	v28 =	vld.idx.msk [tilespmem:v57+s20+$0x0], $0xffff  }
0x27d: {  	v18 =	vld.idx.msk [tilespmem:v18+s20+$0x0], $0xffff;
	v22 =	vor.u32 v3, v22  }
0x27e: {  	v27 =	vld [tilespmem:s22+$0x70];
	[tilespmem:s14+$0x50] =	vst v29  }
0x27f: {  	v25 =	vshll.u32 v25, $0x8;
	v16 =	vor.u32 v11, v16;
	v19 =	vld.idx.msk [tilespmem:v19+s20+$0x0], $0xffff;
	[tilespmem:s16+$0x30] =	vst v23  }
0x280: {  	v26 =	vor.u32 v6, v25;
	[tilespmem:s7+$0x10] =	vst v24;
	v17 =	vld.idx.msk [tilespmem:v17+s20+$0x0], $0xffff  }
0x281: {  	[tilespmem:s7+$0xFFFFFF10] =	vst v28;
	v20 =	vld.idx.msk [tilespmem:v21+s20+$0x0], $0xffff  }
0x282: {  	s12 =	simm.s32 $0x480;
	v21 =	vld.idx.msk [tilespmem:v22+s20+$0x0], $0xffff  }
0x283: {  	v22 =	vld [tilespmem:s12+$0x0]  }
0x284: {  	v16 =	vld.idx.msk [tilespmem:v16+s20+$0x0], $0xffff;
	[tilespmem:s14+$0xD0] =	vst v19  }
0x285: {  	v26 =	vld.idx.msk [tilespmem:v26+s20+$0x0], $0xffff;
	[tilespmem:s16+$0xB0] =	vst v17  }
0x286: {  	[tilespmem:s7+$0x90] =	vst v20;
	v20 =	vshll.u32 v27, $0x8;
	v27 =	vld [tilespmem:s12+$0xFFFFFF80]  }
0x287: {  	[tilespmem:s7+$0xFFFFFF90] =	vst v21;
	v21 =	vld [tilespmem:s4+$0x40]  }
0x288: {  	v19 =	vshll.u32 v22, $0x8;
	v22 =	vld [tilespmem:s15+$0x60]  }
0x289: {  	v17 =	vor.u32 v7, v25;
	v23 =	vld [tilespmem:s10+$0x20]  }
0x28a: {  	[tilespmem:s14+$0xFFFFFFC0] =	vst v18;
	v24 =	vor.u32 v14, v20;
	v25 =	vld [tilespmem:s10+$0xFFFFFFA0]  }
0x28b: {  	[tilespmem:s16+$0xFFFFFF30] =	vst v26;
	v59 =	vor.u32 v0, v19;
	v26 =	vshll.u32 v27, $0x8  }
0x28c: {  	[tilespmem:s1+$0xFFFFFFD0] =	vst v16;
	v16 =	vld [tilespmem:s15+$0xFFFFFFD0];
	v21 =	vshll.u32 v21, $0x8;
	v18 =	vor.u32 v0, v26  }
0x28d: {  	v61 =	vld [tilespmem:s22+$0xFFFFFFE0];
	v22 =	vshll.u32 v22, $0x8;
	v60 =	vor.u32 v8, v21  }
0x28e: {  	v17 =	vld.idx.msk [tilespmem:v17+s20+$0x0], $0xffff;
	v23 =	vshll.u32 v23, $0x8;
	v63 =	vor.u32 v12, v22  }
0x28f: {  	v24 =	vld.idx.msk [tilespmem:v24+s20+$0x0], $0xffff;
	v25 =	vshll.u32 v25, $0x8;
	v27 =	vor.u32 v4, v23  }
0x290: {  	v28 =	vld.idx.msk [tilespmem:v59+s20+$0x0], $0xffff;
	v62 =	vor.u32 v4, v25  }
0x291: {  	v19 =	vor.u32 v1, v19;
	v18 =	vld.idx.msk [tilespmem:v18+s20+$0x0], $0xffff  }
0x292: {  	v29 =	vld.idx.msk [tilespmem:v60+s20+$0x0], $0xffff  }
0x293: {  	v26 =	vor.u32 v1, v26;
	v36 =	vld.idx.msk [tilespmem:v63+s20+$0x0], $0xffff  }
0x294: {  	s11 =	simm.s32 $0x1B500;
	v21 =	vor.u32 v9, v21;
	[tilespmem:s16+$0xFFFFFFB0] =	vst v17;
	v27 =	vld.idx.msk [tilespmem:v27+s20+$0x0], $0xffff  }
0x295: {  	v23 =	vor.u32 v5, v23;
	[tilespmem:s11+$0x0] =	vst v28;
	v31 =	vld.idx.msk [tilespmem:v62+s20+$0x0], $0xffff  }
0x296: {  	v22 =	vor.u32 v13, v22;
	v17 =	vld.idx.msk [tilespmem:v19+s20+$0x0], $0xffff;
	[tilespmem:s11+$0xFFFFFF00] =	vst v18  }
0x297: {  	v25 =	vor.u32 v5, v25;
	v19 =	vld [tilespmem:s4+$0xFFFFFFC0];
	[tilespmem:s16+$0x40] =	vst v29  }
0x298: {  	[tilespmem:s14+$0x60] =	vst v36;
	v26 =	vld.idx.msk [tilespmem:v26+s20+$0x0], $0xffff  }
0x299: {  	v16 =	vshll.u32 v16, $0x8;
	v20 =	vor.u32 v15, v20;
	[tilespmem:s7+$0x20] =	vst v27;
	v21 =	vld.idx.msk [tilespmem:v21+s20+$0x0], $0xffff  }
0x29a: {  	[tilespmem:s7+$0xFFFFFF20] =	vst v31;
	v18 =	vld.idx.msk [tilespmem:v23+s20+$0x0], $0xffff;
	v23 =	vor.u32 v10, v16  }
0x29b: {  	[tilespmem:s11+$0x80] =	vst v17;
	v17 =	vld.idx.msk [tilespmem:v22+s20+$0x0], $0xffff  }
0x29c: {  	v25 =	vld.idx.msk [tilespmem:v25+s20+$0x0], $0xffff  }
0x29d: {  	[tilespmem:s1+$0x70] =	vst v24;
	v22 =	vld [tilespmem:s12+$0x10]  }
0x29e: {  	v27 =	vor.u32 v11, v16;
	v16 =	vld.idx.msk [tilespmem:v20+s20+$0x0], $0xffff;
	[tilespmem:s11+$0xFFFFFF80] =	vst v26  }
0x29f: {  	[tilespmem:s7+$0xA0] =	vst v18;
	v18 =	vld.idx.msk [tilespmem:v23+s20+$0x0], $0xffff  }
0x2a0: {  	v24 =	vshll.u32 v61, $0x8;
	[tilespmem:s16+$0xC0] =	vst v21;
	v26 =	vld [tilespmem:s12+$0xFFFFFF90]  }
0x2a1: {  	v19 =	vshll.u32 v19, $0x8;
	v20 =	vor.u32 v12, v24;
	[tilespmem:s7+$0xFFFFFFA0] =	vst v25;
	v25 =	vld [tilespmem:s4+$0x50]  }
0x2a2: {  	v21 =	vor.u32 v8, v19;
	v23 =	vld [tilespmem:s10+$0x30];
	_ =	sdelay $0x1  }
0x2a3: {  	s13 =	simm.s32 $0x580;
	v22 =	vshll.u32 v22, $0x8;
	v37 =	vld [tilespmem:s10+$0xFFFFFFB0]  }
0x2a4: {  	v42 =	vld [tilespmem:s13+$0xFFFFFF80];
	v38 =	vor.u32 v2, v22;
	v26 =	vshll.u32 v26, $0x8  }
0x2a5: {  	v20 =	vld.idx.msk [tilespmem:v20+s20+$0x0], $0xffff;
	[tilespmem:s14+$0xFFFFFF50] =	vst v18;
	v25 =	vshll.u32 v25, $0x8;
	v18 =	vor.u32 v2, v26  }
0x2a6: {  	[tilespmem:s14+$0xE0] =	vst v17;
	v21 =	vld.idx.msk [tilespmem:v21+s20+$0x0], $0xffff;
	v17 =	vshll.u32 v23, $0x8;
	v40 =	vor.u32 v10, v25  }
0x2a7: {  	v23 =	vld [tilespmem:s15+$0x70];
	v39 =	vor.u32 v6, v17  }
0x2a8: {  	v19 =	vor.u32 v9, v19;
	v27 =	vld.idx.msk [tilespmem:v27+s20+$0x0], $0xffff;
	v28 =	vshll.u32 v37, $0x8  }
0x2a9: {  	v29 =	vld.idx.msk [tilespmem:v38+s20+$0x0], $0xffff;
	v41 =	vor.u32 v6, v28  }
0x2aa: {  	v44 =	vshll.u32 v42, $0x8;
	v22 =	vor.u32 v3, v22;
	v18 =	vld.idx.msk [tilespmem:v18+s20+$0x0], $0xffff  }
0x2ab: {  	v46 =	vor.u32 v0, v44;
	v31 =	vld.idx.msk [tilespmem:v40+s20+$0x0], $0xffff  }
0x2ac: {  	v26 =	vor.u32 v3, v26;
	[tilespmem:s16+$0xFFFFFF40] =	vst v21;
	v30 =	vld.idx.msk [tilespmem:v39+s20+$0x0], $0xffff  }
0x2ad: {  	v17 =	vor.u32 v7, v17;
	v19 =	vld.idx.msk [tilespmem:v19+s20+$0x0], $0xffff  }
0x2ae: {  	v25 =	vor.u32 v11, v25;
	[tilespmem:s11+$0x10] =	vst v29;
	v32 =	vld.idx.msk [tilespmem:v41+s20+$0x0], $0xffff  }
0x2af: {  	v21 =	vld.idx.msk [tilespmem:v22+s20+$0x0], $0xffff;
	[tilespmem:s11+$0xFFFFFF10] =	vst v18  }
0x2b0: {  	[tilespmem:s16+$0x50] =	vst v31;
	v31 =	vld.idx.msk [tilespmem:v46+s20+$0x0], $0xffff  }
0x2b1: {  	v28 =	vor.u32 v7, v28;
	[tilespmem:s7+$0x30] =	vst v30;
	v18 =	vld.idx.msk [tilespmem:v26+s20+$0x0], $0xffff  }
0x2b2: {  	[tilespmem:s1+$0xFFFFFF60] =	vst v20;
	v17 =	vld.idx.msk [tilespmem:v17+s20+$0x0], $0xffff  }
0x2b3: {  	[tilespmem:s16+$0xFFFFFFC0] =	vst v19;
	v22 =	vld.idx.msk [tilespmem:v25+s20+$0x0], $0xffff  }
0x2b4: {  	v25 =	vld [tilespmem:s13+$0x0];
	[tilespmem:s11+$0x90] =	vst v21  }
0x2b5: {  	[tilespmem:s7+$0xFFFFFF30] =	vst v32;
	v26 =	vld [tilespmem:s12+$0x20]  }
0x2b6: {  	v19 =	vld.idx.msk [tilespmem:v28+s20+$0x0], $0xffff;
	v28 =	vor.u32 v1, v44;
	[tilespmem:s11+$0xFFFFFF90] =	vst v18  }
0x2b7: {  	v23 =	vshll.u32 v23, $0x8;
	[tilespmem:s7+$0xB0] =	vst v17;
	v18 =	vld [tilespmem:s12+$0xFFFFFFA0]  }
0x2b8: {  	v21 =	vor.u32 v14, v23;
	[tilespmem:s16+$0xD0] =	vst v22;
	v17 =	vld [tilespmem:s10+$0x40]  }
0x2b9: {  	s8 =	simm.s32 $0x1B700;
	[tilespmem:s14+$0xFFFFFFD0] =	vst v27;
	v22 =	vor.u32 v13, v24;
	v24 =	vshll.u32 v25, $0x8;
	v25 =	vld [tilespmem:s4+$0x60]  }
0x2ba: {  	v20 =	vld [tilespmem:s15+$0xFFFFFFE0];
	[tilespmem:s8+$0xFFFFFF00] =	vst v31;
	v43 =	vor.u32 v0, v24;
	v26 =	vshll.u32 v26, $0x8  }
0x2bb: {  	v28 =	vld.idx.msk [tilespmem:v28+s20+$0x0], $0xffff;
	v45 =	vor.u32 v4, v26  }
0x2bc: {  	v27 =	vld [tilespmem:s4+$0xFFFFFFD0];
	v18 =	vshll.u32 v18, $0x8  }
0x2bd: {  	v21 =	vld.idx.msk [tilespmem:v21+s20+$0x0], $0xffff;
	v17 =	vshll.u32 v17, $0x8;
	v48 =	vor.u32 v4, v18  }
0x2be: {  	v22 =	vld.idx.msk [tilespmem:v22+s20+$0x0], $0xffff;
	v25 =	vshll.u32 v25, $0x8;
	v47 =	vor.u32 v8, v17  }
0x2bf: {  	v30 =	vld.idx.msk [tilespmem:v43+s20+$0x0], $0xffff;
	v49 =	vor.u32 v12, v25  }
0x2c0: {  	v24 =	vor.u32 v1, v24;
	[tilespmem:s8+$0xFFFFFF80] =	vst v28;
	v29 =	vld.idx.msk [tilespmem:v45+s20+$0x0], $0xffff  }
0x2c1: {  	v54 =	vld [tilespmem:s13+$0xFFFFFF90]  }
0x2c2: {  	v26 =	vor.u32 v5, v26;
	v33 =	vld.idx.msk [tilespmem:v48+s20+$0x0], $0xffff  }
0x2c3: {  	v18 =	vor.u32 v5, v18;
	v32 =	vld.idx.msk [tilespmem:v47+s20+$0x0], $0xffff  }
0x2c4: {  	v17 =	vor.u32 v9, v17;
	[tilespmem:s8+$0x0] =	vst v30;
	v50 =	vld.idx.msk [tilespmem:v49+s20+$0x0], $0xffff  }
0x2c5: {  	[tilespmem:s7+$0xFFFFFFB0] =	vst v19;
	v25 =	vor.u32 v13, v25;
	v19 =	vld.idx.msk [tilespmem:v24+s20+$0x0], $0xffff  }
0x2c6: {  	v27 =	vshll.u32 v27, $0x8;
	[tilespmem:s11+$0x20] =	vst v29;
	v24 =	vld [tilespmem:s10+$0xFFFFFFC0]  }
0x2c7: {  	v51 =	vor.u32 v10, v27;
	v26 =	vld.idx.msk [tilespmem:v26+s20+$0x0], $0xffff;
	[tilespmem:s11+$0xFFFFFF20] =	vst v33  }
0x2c8: {  	[tilespmem:s7+$0x40] =	vst v32;
	v18 =	vld.idx.msk [tilespmem:v18+s20+$0x0], $0xffff  }
0x2c9: {  	v23 =	vor.u32 v15, v23;
	[tilespmem:s16+$0x60] =	vst v50;
	v17 =	vld.idx.msk [tilespmem:v17+s20+$0x0], $0xffff  }
0x2ca: {  	[tilespmem:s8+$0x80] =	vst v19;
	v19 =	vld.idx.msk [tilespmem:v25+s20+$0x0], $0xffff  }
0x2cb: {  	[tilespmem:s14+$0x70] =	vst v21;
	v25 =	vld [tilespmem:s13+$0x10]  }
0x2cc: {  	[tilespmem:s11+$0xA0] =	vst v26;
	v26 =	vld.idx.msk [tilespmem:v51+s20+$0x0], $0xffff  }
0x2cd: {  	[tilespmem:s1+$0xFFFFFFE0] =	vst v22;
	v24 =	vshll.u32 v24, $0x8;
	v52 =	vld [tilespmem:s12+$0x30]  }
0x2ce: {  	v20 =	vshll.u32 v20, $0x8;
	v23 =	vld.idx.msk [tilespmem:v23+s20+$0x0], $0xffff;
	v53 =	vor.u32 v8, v24;
	[tilespmem:s7+$0xC0] =	vst v17  }
0x2cf: {  	[tilespmem:s11+$0xFFFFFFA0] =	vst v18;
	v17 =	vor.u32 v11, v27;
	v27 =	vor.u32 v12, v20;
	v18 =	vld [tilespmem:s10+$0x50]  }
0x2d0: {  	[tilespmem:s16+$0xE0] =	vst v19;
	v19 =	vshll.u32 v25, $0x8;
	v55 =	vld [tilespmem:s12+$0xFFFFFFB0]  }
0x2d1: {  	[tilespmem:s16+$0xFFFFFF50] =	vst v26;
	v26 =	vshll.u32 v54, $0x8;
	v21 =	vld [tilespmem:s4+$0x70];
	v25 =	vor.u32 v2, v19  }
0x2d2: {  	v59 =	vld [tilespmem:s22+$0xFFFFFFF0];
	v28 =	vshll.u32 v52, $0x8;
	v57 =	vor.u32 v2, v26  }
0x2d3: {  	v29 =	vld.idx.msk [tilespmem:v53+s20+$0x0], $0xffff;
	v56 =	vor.u32 v6, v28  }
0x2d4: {  	[tilespmem:s14+$0xF0] =	vst v23;
	v23 =	vor.u32 v9, v24;
	v22 =	vld.idx.msk [tilespmem:v27+s20+$0x0], $0xffff;
	v18 =	vshll.u32 v18, $0x8  }
0x2d5: {  	v17 =	vld.idx.msk [tilespmem:v17+s20+$0x0], $0xffff;
	v27 =	vshll.u32 v55, $0x8;
	v58 =	vor.u32 v10, v18  }
0x2d6: {  	v35 =	vshll.u32 v21, $0x8;
	v21 =	vld.idx.msk [tilespmem:v25+s20+$0x0], $0xffff;
	v60 =	vor.u32 v6, v27  }
0x2d7: {  	[tilespmem:s1+$0xF0] =	vst v16;
	v24 =	vld.idx.msk [tilespmem:v57+s20+$0x0], $0xffff;
	v25 =	vor.u32 v14, v35  }
0x2d8: {  	v16 =	vor.u32 v3, v19;
	[tilespmem:s7+$0xFFFFFF40] =	vst v29;
	v19 =	vld.idx.msk [tilespmem:v56+s20+$0x0], $0xffff  }
0x2d9: {  	v26 =	vor.u32 v3, v26;
	[tilespmem:s14+$0xFFFFFF60] =	vst v22;
	v22 =	vld.idx.msk [tilespmem:v23+s20+$0x0], $0xffff  }
0x2da: {  	v28 =	vor.u32 v7, v28;
	v61 =	vld.idx.msk [tilespmem:v58+s20+$0x0], $0xffff  }
0x2db: {  	v63 =	vor.u32 v11, v18;
	[tilespmem:s16+$0xFFFFFFD0] =	vst v17;
	v62 =	vld.idx.msk [tilespmem:v60+s20+$0x0], $0xffff  }
0x2dc: {  	[tilespmem:s8+$0x10] =	vst v21;
	v18 =	vld.idx.msk [tilespmem:v25+s20+$0x0], $0xffff  }
0x2dd: {  	v17 =	vor.u32 v13, v20;
	[tilespmem:s8+$0xFFFFFF10] =	vst v24;
	v20 =	vor.u32 v15, v35;
	v25 =	vld.idx.msk [tilespmem:v16+s20+$0x0], $0xffff  }
0x2de: {  	[tilespmem:s11+$0x30] =	vst v19;
	v26 =	vld.idx.msk [tilespmem:v26+s20+$0x0], $0xffff  }
0x2df: {  	v21 =	vor.u32 v7, v27;
	v16 =	vshll.u32 v59, $0x8;
	v24 =	vld.idx.msk [tilespmem:v28+s20+$0x0], $0xffff;
	[tilespmem:s7+$0x50] =	vst v61  }
0x2e0: {  	s28 =	simm.s32 $0x680;
	s6 =	simm.s32 $0x1B700;
	s22 =	simm.s32 $0xA;
	v19 =	vor.u32 v14, v16;
	v16 =	vor.u32 v15, v16;
	[tilespmem:s11+$0xFFFFFF30] =	vst v62;
	v23 =	vld.idx.msk [tilespmem:v63+s20+$0x0], $0xffff  }
.LBB2_5:
0x2e1: {  	v27 =	vld [tilespmem:s28+$0x0];
	s22 =	sadd.s32 $0x2, s22;
	[tilespmem:s16+$0x70] =	vst v18  }
0x2e2: {  	p1 =	slt.u32 s22, $0x30;
	[tilespmem:s8+$0x90] =	vst v25;
	v18 =	vld.idx.msk [tilespmem:v20+s20+$0x0], $0xffff  }
0x2e3: {  	v20 =	vld [tilespmem:s13+$0x20];
	[tilespmem:s7+$0xFFFFFFC0] =	vst v22  }
0x2e4: {  	v22 =	vld [tilespmem:s28+$0xFFFFFF80];
	[tilespmem:s11+$0xB0] =	vst v24  }
0x2e5: {  	[tilespmem:s8+$0xFFFFFF90] =	vst v26;
	v24 =	vld [tilespmem:s12+$0x40]  }
0x2e6: {  	v25 =	vshll.u32 v27, $0x8;
	v26 =	vld [tilespmem:s13+$0xFFFFFFA0];
	[tilespmem:s7+$0xD0] =	vst v23  }
0x2e7: {  	v23 =	vor.u32 v0, v25;
	v27 =	vld [tilespmem:s10+$0x60]  }
0x2e8: {  	v20 =	vshll.u32 v20, $0x8;
	v21 =	vld.idx.msk [tilespmem:v21+s20+$0x0], $0xffff;
	[tilespmem:s16+$0xF0] =	vst v18  }
0x2e9: {  	v18 =	vshll.u32 v22, $0x8;
	v22 =	vor.u32 v4, v20;
	v28 =	vld [tilespmem:s10+$0xFFFFFFD0]  }
0x2ea: {  	v29 =	vor.u32 v0, v18;
	v18 =	vor.u32 v1, v18;
	v24 =	vshll.u32 v24, $0x8;
	v30 =	vld [tilespmem:s4+$0xFFFFFFE0]  }
0x2eb: {  	v26 =	vshll.u32 v26, $0x8;
	v31 =	vor.u32 v8, v24;
	v32 =	vld.idx.msk [tilespmem:v17+s20+$0x0], $0xffff  }
0x2ec: {  	v23 =	vld.idx.msk [tilespmem:v23+s20+$0x0], $0xffff;
	v33 =	vor.u32 v4, v26;
	v26 =	vor.u32 v5, v26;
	v27 =	vshll.u32 v27, $0x8  }
0x2ed: {  	v34 =	vor.u32 v12, v27;
	v19 =	vld.idx.msk [tilespmem:v19+s20+$0x0], $0xffff  }
0x2ee: {  	v25 =	vor.u32 v1, v25;
	v22 =	vld.idx.msk [tilespmem:v22+s20+$0x0], $0xffff;
	[tilespmem:s11+$0xFFFFFFB0] =	vst v21;
	v17 =	vshll.u32 v28, $0x8  }
0x2ef: {  	v21 =	vld.idx.msk [tilespmem:v29+s20+$0x0], $0xffff;
	v28 =	vor.u32 v10, v17;
	v29 =	vor.u32 v11, v17;
	v17 =	vshll.u32 v30, $0x8  }
0x2f0: {  	v20 =	vor.u32 v5, v20;
	v30 =	vld.idx.msk [tilespmem:v31+s20+$0x0], $0xffff;
	v31 =	vor.u32 v12, v17;
	v17 =	vor.u32 v13, v17  }
0x2f1: {  	s8 =	sadd.s32 $0x200, s8;
	v33 =	vld.idx.msk [tilespmem:v33+s20+$0x0], $0xffff;
	[tilespmem:s14+$0xFFFFFFE0] =	vst v32  }
0x2f2: {  	[tilespmem:s8+$0x0] =	vst v23;
	v23 =	vor.u32 v9, v24;
	v24 =	vld.idx.msk [tilespmem:v34+s20+$0x0], $0xffff  }
0x2f3: {  	v25 =	vld.idx.msk [tilespmem:v25+s20+$0x0], $0xffff;
	[tilespmem:s1+$0xFFFFFF70] =	vst v19  }
0x2f4: {  	[tilespmem:s6+$0x20] =	vst v22;
	v19 =	vld [tilespmem:s12+$0xFFFFFFC0];
	v22 =	vor.u32 v13, v27  }
0x2f5: {  	[tilespmem:s8+$0xFFFFFF00] =	vst v21;
	v20 =	vld.idx.msk [tilespmem:v20+s20+$0x0], $0xffff  }
0x2f6: {  	v18 =	vld.idx.msk [tilespmem:v18+s20+$0x0], $0xffff;
	[tilespmem:s11+$0x40] =	vst v30  }
0x2f7: {  	[tilespmem:s6+$0xFFFFFF20] =	vst v33;
	v21 =	vld.idx.msk [tilespmem:v23+s20+$0x0], $0xffff  }
0x2f8: {  	v23 =	vld.idx.msk [tilespmem:v26+s20+$0x0], $0xffff;
	[tilespmem:s7+$0x60] =	vst v24  }
0x2f9: {  	[tilespmem:s8+$0x80] =	vst v25;
	v19 =	vshll.u32 v19, $0x8;
	v22 =	vld.idx.msk [tilespmem:v22+s20+$0x0], $0xffff  }
0x2fa: {  	v24 =	vld [tilespmem:s28+$0x10];
	v25 =	vor.u32 v8, v19;
	v26 =	vor.u32 v9, v19  }
0x2fb: {  	[tilespmem:s6+$0xA0] =	vst v20;
	v19 =	vld.idx.msk [tilespmem:v28+s20+$0x0], $0xffff  }
0x2fc: {  	[tilespmem:s8+$0xFFFFFF80] =	vst v18;
	v18 =	vld [tilespmem:s13+$0x30]  }
0x2fd: {  	v20 =	vld [tilespmem:s28+$0xFFFFFF90];
	[tilespmem:s11+$0xC0] =	vst v21  }
0x2fe: {  	[tilespmem:s6+$0xFFFFFFA0] =	vst v23;
	v21 =	vld [tilespmem:s12+$0x50]  }
0x2ff: {  	v23 =	vshll.u32 v24, $0x8;
	v24 =	vld [tilespmem:s13+$0xFFFFFFB0];
	[tilespmem:s7+$0xE0] =	vst v22  }
0x300: {  	v22 =	vor.u32 v2, v23;
	v27 =	vld [tilespmem:s10+$0x70]  }
0x301: {  	v18 =	vshll.u32 v18, $0x8;
	v25 =	vld.idx.msk [tilespmem:v25+s20+$0x0], $0xffff;
	[tilespmem:s7+$0xFFFFFF50] =	vst v19  }
0x302: {  	v19 =	vshll.u32 v20, $0x8;
	v20 =	vor.u32 v6, v18;
	v28 =	vld.idx.msk [tilespmem:v29+s20+$0x0], $0xffff  }
0x303: {  	v29 =	vor.u32 v2, v19;
	v30 =	vor.u32 v3, v19;
	v32 =	vshll.u32 v21, $0x8;
	v19 =	vld.idx.msk [tilespmem:v31+s20+$0x0], $0xffff  }
0x304: {  	v21 =	vshll.u32 v24, $0x8;
	v24 =	vor.u32 v10, v32;
	v31 =	vld [tilespmem:s15+$0xFFFFFFF0];
	s15 =	smov.u32 s4;
	s4 =	smov.u32 s10;
	s10 =	smov.u32 s12  }
0x305: {  	s12 =	smov.u32 s13;
	s13 =	smov.u32 s28;
	v22 =	vld.idx.msk [tilespmem:v22+s20+$0x0], $0xffff;
	v33 =	vor.u32 v6, v21;
	v21 =	vor.u32 v7, v21;
	v27 =	vshll.u32 v27, $0x8  }
0x306: {  	v34 =	vor.u32 v14, v27;
	v35 =	vld.idx.msk [tilespmem:v16+s20+$0x0], $0xffff  }
0x307: {  	v23 =	vor.u32 v3, v23;
	v20 =	vld.idx.msk [tilespmem:v20+s20+$0x0], $0xffff;
	[tilespmem:s11+$0xFFFFFF40] =	vst v25  }
0x308: {  	v29 =	vld.idx.msk [tilespmem:v29+s20+$0x0], $0xffff;
	[tilespmem:s7+$0xFFFFFFD0] =	vst v28  }
0x309: {  	v28 =	vor.u32 v7, v18;
	v36 =	vld.idx.msk [tilespmem:v24+s20+$0x0], $0xffff;
	[tilespmem:s16+$0xFFFFFF60] =	vst v19;
	v16 =	vshll.u32 v31, $0x8  }
0x30a: {  	v31 =	vld.idx.msk [tilespmem:v33+s20+$0x0], $0xffff;
	v19 =	vor.u32 v14, v16;
	v16 =	vor.u32 v15, v16  }
0x30b: {  	v32 =	vor.u32 v11, v32;
	[tilespmem:s8+$0x10] =	vst v22;
	v18 =	vld.idx.msk [tilespmem:v34+s20+$0x0], $0xffff  }
.Ltmp3:
0x30c: {  	v25 =	vld.idx.msk [tilespmem:v23+s20+$0x0], $0xffff;
	[tilespmem:s1+$0xFFFFFFF0] =	vst v35;
	s1 =	smov.u32 s14;
	s14 =	smov.u32 s16;
	(pc) =	sbr.rel @p1 .LBB2_5-.Ltmp3, $4  }
0x30d: {  	s16 =	smov.u32 s7;
	s7 =	smov.u32 s11;
	s11 =	smov.u32 s6;
	[tilespmem:s6+$0x30] =	vst v20;
	v22 =	vld.idx.msk [tilespmem:v26+s20+$0x0], $0xffff;
	v20 =	vor.u32 v15, v27  }
0x30e: {  	s6 =	smov.u32 s8;
	[tilespmem:s8+$0xFFFFFF10] =	vst v29;
	v24 =	vld.idx.msk [tilespmem:v28+s20+$0x0], $0xffff  }
0x30f: {  	v26 =	vld.idx.msk [tilespmem:v30+s20+$0x0], $0xffff;
	[tilespmem:s7+$0x50] =	vst v36  }
0x310: {  	s28 =	sadd.s32 $0x100, s28;
	[tilespmem:s11+$0xFFFFFF30] =	vst v31;
	v23 =	vld.idx.msk [tilespmem:v32+s20+$0x0], $0xffff  }
0x311: {  	_ =	sdelay $0x1  }
0x312: {  	[tilespmem:s8+$0x90] =	vst v25  }
0x313: {  	v25 =	vld [tilespmem:s13+$0x20];
	[tilespmem:s8+$0xFFFFFF90] =	vst v26  }
0x314: {  	v26 =	vld [tilespmem:s13+$0xFFFFFFA0];
	_ =	sdelay $0x3  }
0x315: {  	v25 =	vshll.u32 v25, $0x8  }
0x316: {  	v27 =	vor.u32 v4, v25;
	v26 =	vshll.u32 v26, $0x8  }
0x317: {  	v28 =	vor.u32 v4, v26;
	_ =	sdelay $0x3  }
0x318: {  	v27 =	vld.idx.msk [tilespmem:v27+s20+$0x0], $0xffff  }
0x319: {  	v25 =	vor.u32 v5, v25;
	v28 =	vld.idx.msk [tilespmem:v28+s20+$0x0], $0xffff  }
0x31a: {  	v26 =	vor.u32 v5, v26;
	_ =	sdelay $0x2  }
0x31b: {  	[tilespmem:s6+$0x20] =	vst v27  }
0x31c: {  	v25 =	vld.idx.msk [tilespmem:v25+s20+$0x0], $0xffff;
	[tilespmem:s6+$0xFFFFFF20] =	vst v28  }
0x31d: {  	v26 =	vld.idx.msk [tilespmem:v26+s20+$0x0], $0xffff;
	_ =	sdelay $0x3  }
0x31e: {  	[tilespmem:s6+$0xA0] =	vst v25  }
0x31f: {  	v25 =	vld [tilespmem:s13+$0x30];
	[tilespmem:s6+$0xFFFFFFA0] =	vst v26  }
0x320: {  	v26 =	vld [tilespmem:s13+$0xFFFFFFB0];
	_ =	sdelay $0x3  }
0x321: {  	v25 =	vshll.u32 v25, $0x8  }
0x322: {  	v62 =	vor.u32 v6, v25;
	v26 =	vshll.u32 v26, $0x8  }
0x323: {  	v63 =	vor.u32 v6, v26;
	_ =	sdelay $0x3  }
0x324: {  	v27 =	vld.idx.msk [tilespmem:v62+s20+$0x0], $0xffff  }
0x325: {  	v25 =	vor.u32 v7, v25;
	v28 =	vld.idx.msk [tilespmem:v63+s20+$0x0], $0xffff  }
0x326: {  	v26 =	vor.u32 v7, v26  }
0x327: {  	v21 =	vld.idx.msk [tilespmem:v21+s20+$0x0], $0xffff;
	[tilespmem:s11+$0xB0] =	vst v24  }
0x328: {  	v33 =	vld [tilespmem:s12+$0x40]  }
0x329: {  	[tilespmem:s6+$0x30] =	vst v27  }
0x32a: {  	v25 =	vld.idx.msk [tilespmem:v25+s20+$0x0], $0xffff;
	[tilespmem:s6+$0xFFFFFF30] =	vst v28  }
0x32b: {  	v32 =	vld.idx.msk [tilespmem:v26+s20+$0x0], $0xffff  }
0x32c: {  	[tilespmem:s11+$0xFFFFFFB0] =	vst v21  }
0x32d: {  	v21 =	vld [tilespmem:s12+$0xFFFFFFC0];
	v34 =	vshll.u32 v33, $0x8  }
0x32e: {  	v36 =	vor.u32 v8, v34  }
0x32f: {  	[tilespmem:s6+$0xB0] =	vst v25  }
0x330: {  	v25 =	vld [tilespmem:s13+$0x40];
	[tilespmem:s6+$0xFFFFFFB0] =	vst v32  }
0x331: {  	v35 =	vld [tilespmem:s13+$0xFFFFFFC0]  }
0x332: {  	v21 =	vshll.u32 v21, $0x8  }
0x333: {  	v29 =	vor.u32 v8, v21;
	v27 =	vld.idx.msk [tilespmem:v36+s20+$0x0], $0xffff  }
0x334: {  	v24 =	vor.u32 v9, v34  }
0x335: {  	v25 =	vshll.u32 v25, $0x8  }
0x336: {  	v37 =	vor.u32 v8, v25;
	v26 =	vshll.u32 v35, $0x8  }
0x337: {  	v30 =	vor.u32 v8, v26  }
0x338: {  	v29 =	vld.idx.msk [tilespmem:v29+s20+$0x0], $0xffff;
	[tilespmem:s11+$0x40] =	vst v27  }
0x339: {  	v21 =	vor.u32 v9, v21;
	v39 =	vld.idx.msk [tilespmem:v24+s20+$0x0], $0xffff;
	_ =	sdelay $0x1  }
0x33a: {  	v28 =	vld.idx.msk [tilespmem:v37+s20+$0x0], $0xffff  }
0x33b: {  	v25 =	vor.u32 v9, v25;
	v38 =	vld.idx.msk [tilespmem:v30+s20+$0x0], $0xffff  }
0x33c: {  	[tilespmem:s11+$0xFFFFFF40] =	vst v29;
	v40 =	vor.u32 v9, v26  }
0x33d: {  	v21 =	vld.idx.msk [tilespmem:v21+s20+$0x0], $0xffff;
	[tilespmem:s11+$0xC0] =	vst v39  }
0x33e: {  	v44 =	vld [tilespmem:s12+$0x50]  }
0x33f: {  	[tilespmem:s6+$0x40] =	vst v28  }
0x340: {  	v25 =	vld.idx.msk [tilespmem:v25+s20+$0x0], $0xffff;
	[tilespmem:s6+$0xFFFFFF40] =	vst v38  }
0x341: {  	v42 =	vld.idx.msk [tilespmem:v40+s20+$0x0], $0xffff  }
0x342: {  	[tilespmem:s11+$0xFFFFFFC0] =	vst v21  }
0x343: {  	v21 =	vld [tilespmem:s12+$0xFFFFFFD0];
	v48 =	vshll.u32 v44, $0x8  }
0x344: {  	[tilespmem:s7+$0xFFFFFFC0] =	vst v22;
	v50 =	vor.u32 v10, v48  }
0x345: {  	v47 =	vld [tilespmem:s10+$0xFFFFFFD0];
	[tilespmem:s6+$0xC0] =	vst v25  }
0x346: {  	v46 =	vld [tilespmem:s13+$0x50];
	[tilespmem:s6+$0xFFFFFFC0] =	vst v42  }
0x347: {  	[tilespmem:s7+$0xD0] =	vst v23;
	v49 =	vld [tilespmem:s13+$0xFFFFFFD0]  }
0x348: {  	v41 =	vld [tilespmem:s10+$0x60];
	v21 =	vshll.u32 v21, $0x8  }
0x349: {  	v32 =	vor.u32 v10, v21;
	v53 =	vld.idx.msk [tilespmem:v50+s20+$0x0], $0xffff  }
0x34a: {  	v23 =	vor.u32 v11, v48;
	v25 =	vshll.u32 v47, $0x8  }
0x34b: {  	v31 =	vld [tilespmem:s4+$0xFFFFFFE0];
	v52 =	vor.u32 v10, v25;
	v22 =	vshll.u32 v46, $0x8  }
0x34c: {  	v17 =	vld.idx.msk [tilespmem:v17+s20+$0x0], $0xffff;
	v51 =	vor.u32 v10, v22;
	v26 =	vshll.u32 v49, $0x8  }
0x34d: {  	v19 =	vld.idx.msk [tilespmem:v19+s20+$0x0], $0xffff;
	v43 =	vshll.u32 v41, $0x8;
	v54 =	vor.u32 v10, v26  }
0x34e: {  	v45 =	vor.u32 v12, v43;
	v32 =	vld.idx.msk [tilespmem:v32+s20+$0x0], $0xffff;
	[tilespmem:s11+$0x50] =	vst v53  }
0x34f: {  	v21 =	vor.u32 v11, v21;
	v23 =	vld.idx.msk [tilespmem:v23+s20+$0x0], $0xffff  }
0x350: {  	v30 =	vld.idx.msk [tilespmem:v52+s20+$0x0], $0xffff  }
0x351: {  	v25 =	vor.u32 v11, v25;
	v29 =	vld.idx.msk [tilespmem:v51+s20+$0x0], $0xffff  }
0x352: {  	v22 =	vor.u32 v11, v22;
	v55 =	vld.idx.msk [tilespmem:v54+s20+$0x0], $0xffff  }
0x353: {  	v59 =	vshll.u32 v31, $0x8;
	v27 =	vld.idx.msk [tilespmem:v45+s20+$0x0], $0xffff;
	[tilespmem:s11+$0xFFFFFF50] =	vst v32;
	v56 =	vor.u32 v11, v26  }
0x354: {  	v61 =	vor.u32 v12, v59;
	v21 =	vld.idx.msk [tilespmem:v21+s20+$0x0], $0xffff;
	[tilespmem:s11+$0xD0] =	vst v23  }
0x355: {  	v24 =	vor.u32 v13, v43;
	v60 =	vld [tilespmem:s12+$0x60];
	[tilespmem:s7+$0xFFFFFF50] =	vst v30  }
0x356: {  	v25 =	vld.idx.msk [tilespmem:v25+s20+$0x0], $0xffff;
	[tilespmem:s6+$0x50] =	vst v29  }
0x357: {  	v22 =	vld.idx.msk [tilespmem:v22+s20+$0x0], $0xffff;
	[tilespmem:s6+$0xFFFFFF50] =	vst v55  }
0x358: {  	[tilespmem:s14+$0xFFFFFFE0] =	vst v17;
	v58 =	vld.idx.msk [tilespmem:v56+s20+$0x0], $0xffff  }
0x359: {  	v17 =	vld.idx.msk [tilespmem:v61+s20+$0x0], $0xffff;
	[tilespmem:s7+$0x60] =	vst v27  }
0x35a: {  	v24 =	vld.idx.msk [tilespmem:v24+s20+$0x0], $0xffff;
	[tilespmem:s11+$0xFFFFFFD0] =	vst v21  }
0x35b: {  	v63 =	vld [tilespmem:s12+$0xFFFFFFE0];
	[tilespmem:s7+$0xFFFFFFD0] =	vst v25  }
0x35c: {  	v27 =	vshll.u32 v60, $0x8;
	v25 =	vld [tilespmem:s10+$0xFFFFFFE0];
	[tilespmem:s6+$0xD0] =	vst v22  }
0x35d: {  	v38 =	vor.u32 v12, v27;
	v22 =	vld [tilespmem:s13+$0x60];
	[tilespmem:s6+$0xFFFFFFD0] =	vst v58  }
0x35e: {  	v37 =	vld [tilespmem:s13+$0xFFFFFFE0]  }
0x35f: {  	[tilespmem:s1+$0xFFFFFF70] =	vst v19  }
0x360: {  	[tilespmem:s7+$0xE0] =	vst v24;
	v24 =	vor.u32 v13, v59;
	v26 =	vshll.u32 v63, $0x8  }
0x361: {  	v16 =	vld.idx.msk [tilespmem:v16+s20+$0x0], $0xffff;
	v33 =	vor.u32 v12, v26;
	v25 =	vshll.u32 v25, $0x8  }
0x362: {  	[tilespmem:s16+$0xFFFFFF60] =	vst v17;
	v17 =	vld.idx.msk [tilespmem:v38+s20+$0x0], $0xffff;
	v41 =	vor.u32 v12, v25;
	v22 =	vshll.u32 v22, $0x8  }
0x363: {  	v39 =	vld [tilespmem:s15+$0xFFFFFFF0];
	v40 =	vor.u32 v12, v22;
	v29 =	vshll.u32 v37, $0x8  }
0x364: {  	v57 =	vld [tilespmem:s10+$0x70];
	v42 =	vor.u32 v12, v29  }
0x365: {  	v24 =	vld.idx.msk [tilespmem:v24+s20+$0x0], $0xffff;
	v27 =	vor.u32 v13, v27  }
0x366: {  	v33 =	vld.idx.msk [tilespmem:v33+s20+$0x0], $0xffff  }
0x367: {  	[tilespmem:s11+$0x60] =	vst v17;
	v17 =	vor.u32 v13, v26;
	v32 =	vld.idx.msk [tilespmem:v41+s20+$0x0], $0xffff  }
0x368: {  	v25 =	vor.u32 v13, v25;
	v31 =	vld.idx.msk [tilespmem:v40+s20+$0x0], $0xffff  }
0x369: {  	v22 =	vor.u32 v13, v22;
	v43 =	vld.idx.msk [tilespmem:v42+s20+$0x0], $0xffff  }
0x36a: {  	[tilespmem:s16+$0xFFFFFFE0] =	vst v24;
	v27 =	vld.idx.msk [tilespmem:v27+s20+$0x0], $0xffff;
	v44 =	vor.u32 v13, v29  }
0x36b: {  	v62 =	vshll.u32 v57, $0x8;
	v47 =	vld [tilespmem:s4+$0xFFFFFFF0];
	[tilespmem:s11+$0xFFFFFF60] =	vst v33  }
0x36c: {  	v36 =	vor.u32 v14, v62;
	v17 =	vld.idx.msk [tilespmem:v17+s20+$0x0], $0xffff;
	[tilespmem:s7+$0xFFFFFF60] =	vst v32  }
0x36d: {  	v25 =	vld.idx.msk [tilespmem:v25+s20+$0x0], $0xffff;
	[tilespmem:s6+$0x60] =	vst v31  }
0x36e: {  	v22 =	vld.idx.msk [tilespmem:v22+s20+$0x0], $0xffff;
	[tilespmem:s6+$0xFFFFFF60] =	vst v43  }
0x36f: {  	[tilespmem:s11+$0xE0] =	vst v27;
	v26 =	vld.idx.msk [tilespmem:v44+s20+$0x0], $0xffff  }
0x370: {  	v27 =	vshll.u32 v47, $0x8;
	v46 =	vld [tilespmem:s12+$0x70]  }
0x371: {  	v23 =	vld.idx.msk [tilespmem:v36+s20+$0x0], $0xffff;
	v52 =	vor.u32 v14, v27;
	[tilespmem:s11+$0xFFFFFFE0] =	vst v17  }
0x372: {  	v48 =	vld [tilespmem:s12+$0xFFFFFFF0];
	[tilespmem:s7+$0xFFFFFFE0] =	vst v25  }
0x373: {  	v30 =	vshll.u32 v39, $0x8;
	v25 =	vld [tilespmem:s10+$0xFFFFFFF0];
	[tilespmem:s6+$0xE0] =	vst v22  }
0x374: {  	v34 =	vor.u32 v14, v30;
	v22 =	vld [tilespmem:s13+$0x70];
	[tilespmem:s6+$0xFFFFFFE0] =	vst v26  }
0x375: {  	v17 =	vor.u32 v15, v62;
	v24 =	vshll.u32 v46, $0x8;
	v50 =	vld [tilespmem:s13+$0xFFFFFFF0]  }
0x376: {  	[tilespmem:s16+$0x70] =	vst v18;
	v19 =	vld.idx.msk [tilespmem:v52+s20+$0x0], $0xffff;
	v51 =	vor.u32 v14, v24  }
0x377: {  	[tilespmem:s1+$0xFFFFFFF0] =	vst v16;
	v16 =	vor.u32 v15, v27;
	v21 =	vshll.u32 v48, $0x8  }
0x378: {  	v20 =	vld.idx.msk [tilespmem:v20+s20+$0x0], $0xffff;
	v55 =	vor.u32 v14, v21;
	v25 =	vshll.u32 v25, $0x8  }
0x379: {  	[tilespmem:s7+$0x70] =	vst v23;
	v45 =	vld.idx.msk [tilespmem:v34+s20+$0x0], $0xffff;
	v54 =	vor.u32 v14, v25;
	v22 =	vshll.u32 v22, $0x8  }
0x37a: {  	v17 =	vld.idx.msk [tilespmem:v17+s20+$0x0], $0xffff;
	v53 =	vor.u32 v14, v22;
	v28 =	vshll.u32 v50, $0x8  }
0x37b: {  	[tilespmem:s16+$0xFFFFFF70] =	vst v19;
	v18 =	vld.idx.msk [tilespmem:v51+s20+$0x0], $0xffff;
	v56 =	vor.u32 v14, v28  }
0x37c: {  	v57 =	vor.u32 v15, v24;
	v16 =	vld.idx.msk [tilespmem:v16+s20+$0x0], $0xffff  }
0x37d: {  	[tilespmem:s16+$0xF0] =	vst v20;
	v49 =	vor.u32 v15, v30;
	v60 =	vld.idx.msk [tilespmem:v55+s20+$0x0], $0xffff  }
0x37e: {  	[tilespmem:s14+$0xFFFFFF70] =	vst v45;
	v61 =	vor.u32 v15, v21;
	v58 =	vld.idx.msk [tilespmem:v54+s20+$0x0], $0xffff  }
0x37f: {  	[tilespmem:s7+$0xF0] =	vst v17;
	v59 =	vor.u32 v15, v25;
	v23 =	vld.idx.msk [tilespmem:v53+s20+$0x0], $0xffff  }
0x380: {  	[tilespmem:s11+$0x70] =	vst v18;
	v17 =	vor.u32 v15, v22;
	v62 =	vld.idx.msk [tilespmem:v56+s20+$0x0], $0xffff  }
0x381: {  	[tilespmem:s16+$0xFFFFFFF0] =	vst v16;
	v20 =	vld.idx.msk [tilespmem:v57+s20+$0x0], $0xffff;
	v63 =	vor.u32 v15, v28  }
0x382: {  	v26 =	vld.idx.msk [tilespmem:v49+s20+$0x0], $0xffff;
	[tilespmem:s11+$0xFFFFFF70] =	vst v60  }
0x383: {  	v18 =	vld.idx.msk [tilespmem:v61+s20+$0x0], $0xffff;
	[tilespmem:s7+$0xFFFFFF70] =	vst v58  }
0x384: {  	v22 =	vld.idx.msk [tilespmem:v59+s20+$0x0], $0xffff;
	[tilespmem:s6+$0x70] =	vst v23  }
0x385: {  	v17 =	vld.idx.msk [tilespmem:v17+s20+$0x0], $0xffff;
	[tilespmem:s6+$0xFFFFFF70] =	vst v62  }
0x386: {  	[tilespmem:s11+$0xF0] =	vst v20;
	v19 =	vld.idx.msk [tilespmem:v63+s20+$0x0], $0xffff  }
0x387: {  	s0 =	sor.u32 s0, s5;
	[tilespmem:s14+$0xFFFFFFF0] =	vst v26  }
.Ltmp4:
0x388: {  	s0 =	sor.u32 s31, s0;
	[tilespmem:s11+$0xFFFFFFF0] =	vst v18;
	(pc) =	sbr.rel @p0 .LBB2_8-.Ltmp4, $4  }
0x389: {  	s0 =	sshrl.u32 s0, $0x3;
	[tilespmem:s7+$0xFFFFFFF0] =	vst v22  }
0x38a: {  	s0 =	sadd.s32 s0, s3;
	[tilespmem:s6+$0xF0] =	vst v17  }
0x38b: {  	s0 =	sadd.s32 $0x20, s0;
	[tilespmem:s6+$0xFFFFFFF0] =	vst v19  }
0x38c: {  	[hbm4b:s0+s17] =	stream.strided.scatter [tilespmem:s24], [sflag:$0x4], $0x3200, s18, s17, $0x38;
	[tilespmem:$0x1DE00] =	vst v63  }
0x38d: {  	s0 =	sadd.s32 $0x3, s30  }
0x38e: {  	s1 =	sshll.u32 s0, $0xD;
	s0 =	sshll.u32 s0, $0x8  }
0x38f: {  	s1 =	sand.u32 $0x78000, s1;
	s0 =	sand.u32 $0x300, s0  }
0x390: {  	s0 =	sor.u32 s1, s0  }
0x391: {  	s0 =	sor.u32 s5, s0  }
.Ltmp5:
0x392: {  	s0 =	sshrl.u32 s0, $0x3;
	(pc) =	sbr.rel .LBB2_2-.Ltmp5, $4  }
0x393: {  	s31 =	sadd.s32 s2, s0  }
0x394: {  	[tilespmem:s20], [sflag:$0x2] =	stream.strided.gather [hbm4b:s31+s17], $0x6400, s18, s17, $0x38;
	[tilespmem:$0x1DE00] =	vst v63  }
0x395: {  	s29 =	sadd.s32 $0x1, s29;
	s0 =	sadd.s32 s0, s9  }
0x396: {  	[tilespmem:s21], [sflag:$0x2] =	stream.strided.gather [hbm4b:s0+s17], $0x6400, s18, s17, $0x38;
	[tilespmem:$0x1DE00] =	vst v63  }
.LBB2_9:
0x397: {  	_ =	sfence.sel $0x180000  }
0x398: {  	[bflag:$0x0] =	sbarrier.arrive $0xFFFF  }
0x399: {  	_ =	strace $0x90000047  }
0x39a: {  	s0 =	stileid.u32;
	[bflag:$0x2] =	sbarrier.arrive $0xFFFF  }
0x39b: {  	p0 =	sne.s32 s0, $0x0;
	s0 =	rddreg [dreg:$0x3]  }
0x39c: {  	s0 =	sadd.s32 @!p0 $0x100000, s0  }
0x39d: {  	[sflag:s0] =	ssyncadd.tile.s32 @!p0 $0x1;
	_ =	shalt  }
.Lfunc_end2:
_tile_overlayer_lowered:
.L_overlay_start_2:
0x39e: {  	(tag) =	ssettag $0x2  }
0x39f: {  	s0 =	rddreg [dreg:$0x0];
	s2 =	stileid.u32  }
0x3a0: {  	s1 =	rddreg [dreg:$0x1];
	p0 =	sne.s32 s2, $0x0  }
0x3a1: {  	s3 =	rddreg [dreg:$0x2];
	[bflag:$0x3] =	sbarrier.arrive $0xFFFF;
	s2 =	simm.s32 @!p0 $0x1C05  }
0x3a2: {  	[timem:s3], [sflag:s2] =	dma.local @!p0 [hbm:s0], s1  }
0x3a3: {  	s0 =	simm.s32 @!p0 $0x5  }
0x3a4: {  	_ =	swait.ge @!p0 [sflag:s0], s1  }
0x3a5: {  	s1 =	ssub.s32 @!p0 $0x0, s1;
	[sflag:s0] =	ssyncset.done @!p0 $0x0  }
0x3a6: {  	[sflag:s0] =	ssyncadd.s32 @!p0 s1  }
0x3a7: {  	[bflag:$0x3] =	sbarrier.arrive $0xFFFF  }
0x3a8: {  	_ =	shalt  }

</sc_bundles>
